<compile_context>
chip_gen: v7x
topology: tpu7x:2x2x1
jax: 0.10.2.dev20260603
libtpu: 0.0.44.dev20260713+nightly
codegen_flags: <defaults>
</compile_context>

<pallas_src>
import jax
import jax.numpy as jnp
from jax.experimental import pallas as pl
from jax.experimental.pallas import tpu as pltpu

ROWS = 8
DEPTH = 4


def _ffn_kernel(nu_ref, des_ref, rs_ref, ng_ref, tok_ref, valid_ref,
                x_ref, w1_hbm, w2_hbm, b1_ref, b2_ref, out_ref,
                wbuf, sem, _unused_sem):
    nu = nu_ref[0]
    D = w1_hbm.shape[1]

    def start_copy(v):
        e = des_ref[v]
        slot = jax.lax.rem(v, DEPTH)
        pltpu.make_async_copy(w1_hbm.at[e], wbuf.at[slot, pl.ds(0, D)],
                              sem.at[slot]).start()
        pltpu.make_async_copy(w2_hbm.at[e], wbuf.at[slot, pl.ds(D, D)],
                              sem.at[slot]).start()

    for d in range(DEPTH):
        @pl.when(d < nu)
        def _():
            start_copy(d)

    def expert_body(u, carry):
        slot = jax.lax.rem(u, DEPTH)
        e = des_ref[u]
        pltpu.make_async_copy(wbuf.at[0], wbuf.at[slot], sem.at[slot]).wait()

        b1row = b1_ref[pl.ds(e, 1), :]
        b2row = b2_ref[pl.ds(e, 1), :]
        base = rs_ref[u]

        def grp(j, c):
            p = (base + j) * ROWS
            rows = [x_ref[pl.ds(tok_ref[p + i], 1), :] for i in range(ROWS)]
            xb = jnp.concatenate(rows, axis=0)
            h = jnp.dot(xb, wbuf[slot, 0:D], preferred_element_type=jnp.float32)
            h = h + b1row
            h = 0.5 * h * (1.0 + jax.lax.erf(h * 0.7071067811865476))
            o = jnp.dot(h, wbuf[slot, D:2 * D], preferred_element_type=jnp.float32)
            o = o + b2row
            for i in range(ROWS):
                @pl.when(valid_ref[p + i] == 1)
                def _():
                    out_ref[pl.ds(tok_ref[p + i], 1), :] = o[i:i + 1, :]
            return c

        jax.lax.fori_loop(0, ng_ref[u], grp, 0, unroll=False)

        @pl.when(u + DEPTH < nu)
        def _():
            start_copy(u + DEPTH)
        return carry

    jax.lax.fori_loop(0, nu, expert_body, 0, unroll=False)


def kernel(x, indices_s, weight1, weight2, bias1, bias2):
    T, D = x.shape
    E, _, H = weight1.shape
    NB = T // ROWS + E

    idx = indices_s.astype(jnp.int32)
    sort_tok = jnp.argsort(idx, stable=True).astype(jnp.int32)
    sorted_e = idx[sort_tok]
    counts = jnp.bincount(idx, length=E)
    nb = (counts + ROWS - 1) // ROWS
    bend = jnp.cumsum(nb)
    bstart = bend - nb
    cstart = jnp.cumsum(counts) - counts
    rank = jnp.arange(T, dtype=jnp.int32) - cstart[sorted_e].astype(jnp.int32)
    pos = bstart[sorted_e].astype(jnp.int32) * ROWS + rank
    tok_at = jnp.zeros((NB * ROWS,), jnp.int32).at[pos].set(sort_tok)
    valid = jnp.zeros((NB * ROWS,), jnp.int32).at[pos].set(1)
    ids = jnp.arange(E, dtype=jnp.int32)
    key = jnp.where(counts > 0, ids, E + ids)
    des = jnp.argsort(key).astype(jnp.int32)
    nu = jnp.sum(counts > 0).astype(jnp.int32)[None]
    rs = bstart[des].astype(jnp.int32)
    ng = nb[des].astype(jnp.int32)

    grid_spec = pltpu.PrefetchScalarGridSpec(
        num_scalar_prefetch=6,
        grid=(1,),
        in_specs=[
            pl.BlockSpec((T, D), lambda u, *refs: (0, 0)),
            pl.BlockSpec(memory_space=pl.ANY),
            pl.BlockSpec(memory_space=pl.ANY),
            pl.BlockSpec((E, H), lambda u, *refs: (0, 0)),
            pl.BlockSpec((E, D), lambda u, *refs: (0, 0)),
        ],
        out_specs=pl.BlockSpec((T, D), lambda u, *refs: (0, 0)),
        scratch_shapes=[
            pltpu.VMEM((DEPTH, D + H, D), jnp.float32),
            pltpu.SemaphoreType.DMA((DEPTH,)),
            pltpu.SemaphoreType.DMA((1,)),
        ],
    )
    out = pl.pallas_call(
        _ffn_kernel,
        grid_spec=grid_spec,
        out_shape=jax.ShapeDtypeStruct((T, D), jnp.float32),
    )(nu, des, rs, ng, tok_at, valid, x, weight1, weight2, bias1, bias2)
    return out[:, None, :]

# --- scband reference (transcript-rebuilt; emitter-appended) ---
"""Pipeline reference for scband-mo-eruntime-experts-30167850287536 (READ-ONLY COPY).

The authoritative reference and input builder live on the scoring server;
editing this copy changes nothing except your own understanding.
"""

import jax, jax.numpy as jnp
import numpy as np


def setup_inputs(seed: int = 0) -> dict:
    key = jax.random.key(seed)
    ks = jax.random.split(key, 6)
    T, E, D, H = 256, 64, 768, 768
    x = jax.random.normal(ks[0], (T, D), dtype=jnp.float32)
    indices_s = jax.random.randint(ks[1], (T,), 0, E, dtype=jnp.int64 if jax.config.jax_enable_x64 else jnp.int32)
    weight1 = jax.random.uniform(ks[2], (E, D, H), dtype=jnp.float32)
    weight2 = jax.random.uniform(ks[3], (E, H, D), dtype=jnp.float32)
    bias1 = jax.random.uniform(ks[4], (E, H), dtype=jnp.float32)
    bias2 = jax.random.uniform(ks[5], (E, D), dtype=jnp.float32)
    return {"x": x, "indices_s": indices_s, "weight1": weight1, "weight2": weight2, "bias1": bias1, "bias2": bias2}


def reference(x, indices_s, weight1, weight2, bias1, bias2):
    # x: [T, D] -> unsqueeze(1) -> [T, 1, D]
    xb = x[:, None, :]
    # bmm with per-token gathered expert weights: weight1[indices_s] is [T, D, H]
    h = jnp.matmul(xb, weight1[indices_s])
    h = h + bias1[indices_s][:, None, :]
    # torch nn.GELU() default is exact erf-based gelu
    h = jax.nn.gelu(h, approximate=False)
    # weight2[indices_s] is [T, H, D]
    o = jnp.matmul(h, weight2[indices_s])
    o = o + bias2[indices_s][:, None, :]
    return o  # [T, 1, D]

if __name__ == "__main__":
    import jax
    _d = setup_inputs()
    print(jax.jit(kernel)(*tuple(_d.values())))

</pallas_src>

<mosaic_0001>
module attributes {stable_mosaic.version = 14 : i64} {
  func.func @_ffn_kernel(%arg0: i32, %arg1: memref<1xi32, #tpu.memory_space<smem>>, %arg2: memref<64xi32, #tpu.memory_space<smem>>, %arg3: memref<64xi32, #tpu.memory_space<smem>>, %arg4: memref<64xi32, #tpu.memory_space<smem>>, %arg5: memref<768xi32, #tpu.memory_space<smem>>, %arg6: memref<768xi32, #tpu.memory_space<smem>>, %arg7: memref<256x768xf32, #tpu.memory_space<vmem>>, %arg8: memref<64x768x768xf32, #tpu.memory_space<any>>, %arg9: memref<64x768x768xf32, #tpu.memory_space<any>>, %arg10: memref<64x768xf32, #tpu.memory_space<vmem>>, %arg11: memref<64x768xf32, #tpu.memory_space<vmem>>, %arg12: memref<256x768xf32, #tpu.memory_space<vmem>>, %arg13: memref<4x1536x768xf32, #tpu.memory_space<vmem>>, %arg14: memref<4x!tpu.dma_semaphore, #tpu.memory_space<semaphore_mem>>, %arg15: memref<1x!tpu.dma_semaphore, #tpu.memory_space<semaphore_mem>>) attributes {dimension_semantics = [#tpu.dimension_semantics<arbitrary>], iteration_bounds = array<i64: 1>, scalar_prefetch = 6 : i64, scratch_operands = 3 : i64, tpu.core_type = #tpu.core_type<tc>, window_params = [{pipeline_mode = #tpu.pipeline_mode<synchronous>, transform_indices = @transform_0, window_bounds = array<i64: 256, 768>}, {}, {}, {pipeline_mode = #tpu.pipeline_mode<synchronous>, transform_indices = @transform_3, window_bounds = array<i64: 64, 768>}, {pipeline_mode = #tpu.pipeline_mode<synchronous>, transform_indices = @transform_4, window_bounds = array<i64: 64, 768>}, {pipeline_mode = #tpu.pipeline_mode<synchronous>, transform_indices = @transform_5, window_bounds = array<i64: 256, 768>}]} {
    %get3A = arith.constant 0 : index
    %get3A_0 = memref.load %arg1[%get3A] : memref<1xi32, #tpu.memory_space<smem>>
    %gt3A = arith.constant 0 : i32
    %gt3A_1 = arith.cmpi sgt, %get3A_0, %gt3A : i32
    %convert_element_type3A = arith.extui %gt3A_1 : i1 to i32
    %cond3A = arith.constant 0 : i32
    %cond3A_2 = arith.cmpi ne, %convert_element_type3A, %cond3A : i32
    scf.if %cond3A_2 {
      %get3A_27 = arith.constant 0 : index
      %get3A_28 = memref.load %arg2[%get3A_27] : memref<64xi32, #tpu.memory_space<smem>>
      %rem3A = arith.constant 0 : i32
      %rem3A_29 = arith.constant 4 : i32
      %rem3A_30 = arith.remsi %rem3A, %rem3A_29 : i32
      %dma_start3A = tpu.memref_slice %arg14[%rem3A_30] : memref<4x!tpu.dma_semaphore, #tpu.memory_space<semaphore_mem>> -> memref<1x!tpu.dma_semaphore, #tpu.memory_space<semaphore_mem>>
      %dma_start3A_31 = tpu.memref_squeeze %dma_start3A : memref<1x!tpu.dma_semaphore, #tpu.memory_space<semaphore_mem>> -> memref<!tpu.dma_semaphore, #tpu.memory_space<semaphore_mem>>
      %dma_start3A_32 = arith.constant 0 : i32
      %dma_start3A_33 = arith.constant 0 : i32
      %dma_start3A_34 = tpu.memref_slice %arg13[%rem3A_30, %dma_start3A_32, %dma_start3A_33] : memref<4x1536x768xf32, #tpu.memory_space<vmem>> -> memref<1x768x768xf32, #tpu.memory_space<vmem>>
      %dma_start3A_35 = tpu.memref_squeeze %dma_start3A_34 : memref<1x768x768xf32, #tpu.memory_space<vmem>> -> memref<768x768xf32, #tpu.memory_space<vmem>>
      %dma_start3A_36 = arith.constant 0 : i32
      %dma_start3A_37 = arith.constant 0 : i32
      %dma_start3A_38 = tpu.memref_slice %arg8[%get3A_28, %dma_start3A_36, %dma_start3A_37] : memref<64x768x768xf32, #tpu.memory_space<any>> -> memref<1x768x768xf32, #tpu.memory_space<any>>
      %dma_start3A_39 = tpu.memref_squeeze %dma_start3A_38 : memref<1x768x768xf32, #tpu.memory_space<any>> -> memref<768x768xf32, #tpu.memory_space<any>>
      tpu.enqueue_dma source(%dma_start3A_39 : memref<768x768xf32, #tpu.memory_space<any>>) target(%dma_start3A_35 : memref<768x768xf32, #tpu.memory_space<vmem>>) target_semaphore(%dma_start3A_31 : memref<!tpu.dma_semaphore, #tpu.memory_space<semaphore_mem>>)
      %dma_start3A_40 = tpu.memref_slice %arg14[%rem3A_30] : memref<4x!tpu.dma_semaphore, #tpu.memory_space<semaphore_mem>> -> memref<1x!tpu.dma_semaphore, #tpu.memory_space<semaphore_mem>>
      %dma_start3A_41 = tpu.memref_squeeze %dma_start3A_40 : memref<1x!tpu.dma_semaphore, #tpu.memory_space<semaphore_mem>> -> memref<!tpu.dma_semaphore, #tpu.memory_space<semaphore_mem>>
      %dma_start3A_42 = arith.constant 768 : i32
      %dma_start3A_43 = arith.constant 0 : i32
      %dma_start3A_44 = tpu.memref_slice %arg13[%rem3A_30, %dma_start3A_42, %dma_start3A_43] : memref<4x1536x768xf32, #tpu.memory_space<vmem>> -> memref<1x768x768xf32, #tpu.memory_space<vmem>>
      %dma_start3A_45 = tpu.memref_squeeze %dma_start3A_44 : memref<1x768x768xf32, #tpu.memory_space<vmem>> -> memref<768x768xf32, #tpu.memory_space<vmem>>
      %dma_start3A_46 = arith.constant 0 : i32
      %dma_start3A_47 = arith.constant 0 : i32
      %dma_start3A_48 = tpu.memref_slice %arg9[%get3A_28, %dma_start3A_46, %dma_start3A_47] : memref<64x768x768xf32, #tpu.memory_space<any>> -> memref<1x768x768xf32, #tpu.memory_space<any>>
      %dma_start3A_49 = tpu.memref_squeeze %dma_start3A_48 : memref<1x768x768xf32, #tpu.memory_space<any>> -> memref<768x768xf32, #tpu.memory_space<any>>
      tpu.enqueue_dma source(%dma_start3A_49 : memref<768x768xf32, #tpu.memory_space<any>>) target(%dma_start3A_45 : memref<768x768xf32, #tpu.memory_space<vmem>>) target_semaphore(%dma_start3A_41 : memref<!tpu.dma_semaphore, #tpu.memory_space<semaphore_mem>>)
    } else {
    }
    %gt3A_3 = arith.constant 1 : i32
    %gt3A_4 = arith.cmpi sgt, %get3A_0, %gt3A_3 : i32
    %convert_element_type3A_5 = arith.extui %gt3A_4 : i1 to i32
    %cond3A_6 = arith.constant 0 : i32
    %cond3A_7 = arith.cmpi ne, %convert_element_type3A_5, %cond3A_6 : i32
    scf.if %cond3A_7 {
      %get3A_27 = arith.constant 1 : index
      %get3A_28 = memref.load %arg2[%get3A_27] : memref<64xi32, #tpu.memory_space<smem>>
      %rem3A = arith.constant 1 : i32
      %rem3A_29 = arith.constant 4 : i32
      %rem3A_30 = arith.remsi %rem3A, %rem3A_29 : i32
      %dma_start3A = tpu.memref_slice %arg14[%rem3A_30] : memref<4x!tpu.dma_semaphore, #tpu.memory_space<semaphore_mem>> -> memref<1x!tpu.dma_semaphore, #tpu.memory_space<semaphore_mem>>
      %dma_start3A_31 = tpu.memref_squeeze %dma_start3A : memref<1x!tpu.dma_semaphore, #tpu.memory_space<semaphore_mem>> -> memref<!tpu.dma_semaphore, #tpu.memory_space<semaphore_mem>>
      %dma_start3A_32 = arith.constant 0 : i32
      %dma_start3A_33 = arith.constant 0 : i32
      %dma_start3A_34 = tpu.memref_slice %arg13[%rem3A_30, %dma_start3A_32, %dma_start3A_33] : memref<4x1536x768xf32, #tpu.memory_space<vmem>> -> memref<1x768x768xf32, #tpu.memory_space<vmem>>
      %dma_start3A_35 = tpu.memref_squeeze %dma_start3A_34 : memref<1x768x768xf32, #tpu.memory_space<vmem>> -> memref<768x768xf32, #tpu.memory_space<vmem>>
      %dma_start3A_36 = arith.constant 0 : i32
      %dma_start3A_37 = arith.constant 0 : i32
      %dma_start3A_38 = tpu.memref_slice %arg8[%get3A_28, %dma_start3A_36, %dma_start3A_37] : memref<64x768x768xf32, #tpu.memory_space<any>> -> memref<1x768x768xf32, #tpu.memory_space<any>>
      %dma_start3A_39 = tpu.memref_squeeze %dma_start3A_38 : memref<1x768x768xf32, #tpu.memory_space<any>> -> memref<768x768xf32, #tpu.memory_space<any>>
      tpu.enqueue_dma source(%dma_start3A_39 : memref<768x768xf32, #tpu.memory_space<any>>) target(%dma_start3A_35 : memref<768x768xf32, #tpu.memory_space<vmem>>) target_semaphore(%dma_start3A_31 : memref<!tpu.dma_semaphore, #tpu.memory_space<semaphore_mem>>)
      %dma_start3A_40 = tpu.memref_slice %arg14[%rem3A_30] : memref<4x!tpu.dma_semaphore, #tpu.memory_space<semaphore_mem>> -> memref<1x!tpu.dma_semaphore, #tpu.memory_space<semaphore_mem>>
      %dma_start3A_41 = tpu.memref_squeeze %dma_start3A_40 : memref<1x!tpu.dma_semaphore, #tpu.memory_space<semaphore_mem>> -> memref<!tpu.dma_semaphore, #tpu.memory_space<semaphore_mem>>
      %dma_start3A_42 = arith.constant 768 : i32
      %dma_start3A_43 = arith.constant 0 : i32
      %dma_start3A_44 = tpu.memref_slice %arg13[%rem3A_30, %dma_start3A_42, %dma_start3A_43] : memref<4x1536x768xf32, #tpu.memory_space<vmem>> -> memref<1x768x768xf32, #tpu.memory_space<vmem>>
      %dma_start3A_45 = tpu.memref_squeeze %dma_start3A_44 : memref<1x768x768xf32, #tpu.memory_space<vmem>> -> memref<768x768xf32, #tpu.memory_space<vmem>>
      %dma_start3A_46 = arith.constant 0 : i32
      %dma_start3A_47 = arith.constant 0 : i32
      %dma_start3A_48 = tpu.memref_slice %arg9[%get3A_28, %dma_start3A_46, %dma_start3A_47] : memref<64x768x768xf32, #tpu.memory_space<any>> -> memref<1x768x768xf32, #tpu.memory_space<any>>
      %dma_start3A_49 = tpu.memref_squeeze %dma_start3A_48 : memref<1x768x768xf32, #tpu.memory_space<any>> -> memref<768x768xf32, #tpu.memory_space<any>>
      tpu.enqueue_dma source(%dma_start3A_49 : memref<768x768xf32, #tpu.memory_space<any>>) target(%dma_start3A_45 : memref<768x768xf32, #tpu.memory_space<vmem>>) target_semaphore(%dma_start3A_41 : memref<!tpu.dma_semaphore, #tpu.memory_space<semaphore_mem>>)
    } else {
    }
    %gt3A_8 = arith.constant 2 : i32
    %gt3A_9 = arith.cmpi sgt, %get3A_0, %gt3A_8 : i32
    %convert_element_type3A_10 = arith.extui %gt3A_9 : i1 to i32
    %cond3A_11 = arith.constant 0 : i32
    %cond3A_12 = arith.cmpi ne, %convert_element_type3A_10, %cond3A_11 : i32
    scf.if %cond3A_12 {
      %get3A_27 = arith.constant 2 : index
      %get3A_28 = memref.load %arg2[%get3A_27] : memref<64xi32, #tpu.memory_space<smem>>
      %rem3A = arith.constant 2 : i32
      %rem3A_29 = arith.constant 4 : i32
      %rem3A_30 = arith.remsi %rem3A, %rem3A_29 : i32
      %dma_start3A = tpu.memref_slice %arg14[%rem3A_30] : memref<4x!tpu.dma_semaphore, #tpu.memory_space<semaphore_mem>> -> memref<1x!tpu.dma_semaphore, #tpu.memory_space<semaphore_mem>>
      %dma_start3A_31 = tpu.memref_squeeze %dma_start3A : memref<1x!tpu.dma_semaphore, #tpu.memory_space<semaphore_mem>> -> memref<!tpu.dma_semaphore, #tpu.memory_space<semaphore_mem>>
      %dma_start3A_32 = arith.constant 0 : i32
      %dma_start3A_33 = arith.constant 0 : i32
      %dma_start3A_34 = tpu.memref_slice %arg13[%rem3A_30, %dma_start3A_32, %dma_start3A_33] : memref<4x1536x768xf32, #tpu.memory_space<vmem>> -> memref<1x768x768xf32, #tpu.memory_space<vmem>>
      %dma_start3A_35 = tpu.memref_squeeze %dma_start3A_34 : memref<1x768x768xf32, #tpu.memory_space<vmem>> -> memref<768x768xf32, #tpu.memory_space<vmem>>
      %dma_start3A_36 = arith.constant 0 : i32
      %dma_start3A_37 = arith.constant 0 : i32
      %dma_start3A_38 = tpu.memref_slice %arg8[%get3A_28, %dma_start3A_36, %dma_start3A_37] : memref<64x768x768xf32, #tpu.memory_space<any>> -> memref<1x768x768xf32, #tpu.memory_space<any>>
      %dma_start3A_39 = tpu.memref_squeeze %dma_start3A_38 : memref<1x768x768xf32, #tpu.memory_space<any>> -> memref<768x768xf32, #tpu.memory_space<any>>
      tpu.enqueue_dma source(%dma_start3A_39 : memref<768x768xf32, #tpu.memory_space<any>>) target(%dma_start3A_35 : memref<768x768xf32, #tpu.memory_space<vmem>>) target_semaphore(%dma_start3A_31 : memref<!tpu.dma_semaphore, #tpu.memory_space<semaphore_mem>>)
      %dma_start3A_40 = tpu.memref_slice %arg14[%rem3A_30] : memref<4x!tpu.dma_semaphore, #tpu.memory_space<semaphore_mem>> -> memref<1x!tpu.dma_semaphore, #tpu.memory_space<semaphore_mem>>
      %dma_start3A_41 = tpu.memref_squeeze %dma_start3A_40 : memref<1x!tpu.dma_semaphore, #tpu.memory_space<semaphore_mem>> -> memref<!tpu.dma_semaphore, #tpu.memory_space<semaphore_mem>>
      %dma_start3A_42 = arith.constant 768 : i32
      %dma_start3A_43 = arith.constant 0 : i32
      %dma_start3A_44 = tpu.memref_slice %arg13[%rem3A_30, %dma_start3A_42, %dma_start3A_43] : memref<4x1536x768xf32, #tpu.memory_space<vmem>> -> memref<1x768x768xf32, #tpu.memory_space<vmem>>
      %dma_start3A_45 = tpu.memref_squeeze %dma_start3A_44 : memref<1x768x768xf32, #tpu.memory_space<vmem>> -> memref<768x768xf32, #tpu.memory_space<vmem>>
      %dma_start3A_46 = arith.constant 0 : i32
      %dma_start3A_47 = arith.constant 0 : i32
      %dma_start3A_48 = tpu.memref_slice %arg9[%get3A_28, %dma_start3A_46, %dma_start3A_47] : memref<64x768x768xf32, #tpu.memory_space<any>> -> memref<1x768x768xf32, #tpu.memory_space<any>>
      %dma_start3A_49 = tpu.memref_squeeze %dma_start3A_48 : memref<1x768x768xf32, #tpu.memory_space<any>> -> memref<768x768xf32, #tpu.memory_space<any>>
      tpu.enqueue_dma source(%dma_start3A_49 : memref<768x768xf32, #tpu.memory_space<any>>) target(%dma_start3A_45 : memref<768x768xf32, #tpu.memory_space<vmem>>) target_semaphore(%dma_start3A_41 : memref<!tpu.dma_semaphore, #tpu.memory_space<semaphore_mem>>)
    } else {
    }
    %gt3A_13 = arith.constant 3 : i32
    %gt3A_14 = arith.cmpi sgt, %get3A_0, %gt3A_13 : i32
    %convert_element_type3A_15 = arith.extui %gt3A_14 : i1 to i32
    %cond3A_16 = arith.constant 0 : i32
    %cond3A_17 = arith.cmpi ne, %convert_element_type3A_15, %cond3A_16 : i32
    scf.if %cond3A_17 {
      %get3A_27 = arith.constant 3 : index
      %get3A_28 = memref.load %arg2[%get3A_27] : memref<64xi32, #tpu.memory_space<smem>>
      %rem3A = arith.constant 3 : i32
      %rem3A_29 = arith.constant 4 : i32
      %rem3A_30 = arith.remsi %rem3A, %rem3A_29 : i32
      %dma_start3A = tpu.memref_slice %arg14[%rem3A_30] : memref<4x!tpu.dma_semaphore, #tpu.memory_space<semaphore_mem>> -> memref<1x!tpu.dma_semaphore, #tpu.memory_space<semaphore_mem>>
      %dma_start3A_31 = tpu.memref_squeeze %dma_start3A : memref<1x!tpu.dma_semaphore, #tpu.memory_space<semaphore_mem>> -> memref<!tpu.dma_semaphore, #tpu.memory_space<semaphore_mem>>
      %dma_start3A_32 = arith.constant 0 : i32
      %dma_start3A_33 = arith.constant 0 : i32
      %dma_start3A_34 = tpu.memref_slice %arg13[%rem3A_30, %dma_start3A_32, %dma_start3A_33] : memref<4x1536x768xf32, #tpu.memory_space<vmem>> -> memref<1x768x768xf32, #tpu.memory_space<vmem>>
      %dma_start3A_35 = tpu.memref_squeeze %dma_start3A_34 : memref<1x768x768xf32, #tpu.memory_space<vmem>> -> memref<768x768xf32, #tpu.memory_space<vmem>>
      %dma_start3A_36 = arith.constant 0 : i32
      %dma_start3A_37 = arith.constant 0 : i32
      %dma_start3A_38 = tpu.memref_slice %arg8[%get3A_28, %dma_start3A_36, %dma_start3A_37] : memref<64x768x768xf32, #tpu.memory_space<any>> -> memref<1x768x768xf32, #tpu.memory_space<any>>
      %dma_start3A_39 = tpu.memref_squeeze %dma_start3A_38 : memref<1x768x768xf32, #tpu.memory_space<any>> -> memref<768x768xf32, #tpu.memory_space<any>>
      tpu.enqueue_dma source(%dma_start3A_39 : memref<768x768xf32, #tpu.memory_space<any>>) target(%dma_start3A_35 : memref<768x768xf32, #tpu.memory_space<vmem>>) target_semaphore(%dma_start3A_31 : memref<!tpu.dma_semaphore, #tpu.memory_space<semaphore_mem>>)
      %dma_start3A_40 = tpu.memref_slice %arg14[%rem3A_30] : memref<4x!tpu.dma_semaphore, #tpu.memory_space<semaphore_mem>> -> memref<1x!tpu.dma_semaphore, #tpu.memory_space<semaphore_mem>>
      %dma_start3A_41 = tpu.memref_squeeze %dma_start3A_40 : memref<1x!tpu.dma_semaphore, #tpu.memory_space<semaphore_mem>> -> memref<!tpu.dma_semaphore, #tpu.memory_space<semaphore_mem>>
      %dma_start3A_42 = arith.constant 768 : i32
      %dma_start3A_43 = arith.constant 0 : i32
      %dma_start3A_44 = tpu.memref_slice %arg13[%rem3A_30, %dma_start3A_42, %dma_start3A_43] : memref<4x1536x768xf32, #tpu.memory_space<vmem>> -> memref<1x768x768xf32, #tpu.memory_space<vmem>>
      %dma_start3A_45 = tpu.memref_squeeze %dma_start3A_44 : memref<1x768x768xf32, #tpu.memory_space<vmem>> -> memref<768x768xf32, #tpu.memory_space<vmem>>
      %dma_start3A_46 = arith.constant 0 : i32
      %dma_start3A_47 = arith.constant 0 : i32
      %dma_start3A_48 = tpu.memref_slice %arg9[%get3A_28, %dma_start3A_46, %dma_start3A_47] : memref<64x768x768xf32, #tpu.memory_space<any>> -> memref<1x768x768xf32, #tpu.memory_space<any>>
      %dma_start3A_49 = tpu.memref_squeeze %dma_start3A_48 : memref<1x768x768xf32, #tpu.memory_space<any>> -> memref<768x768xf32, #tpu.memory_space<any>>
      tpu.enqueue_dma source(%dma_start3A_49 : memref<768x768xf32, #tpu.memory_space<any>>) target(%dma_start3A_45 : memref<768x768xf32, #tpu.memory_space<vmem>>) target_semaphore(%dma_start3A_41 : memref<!tpu.dma_semaphore, #tpu.memory_space<semaphore_mem>>)
    } else {
    }
    %while3A = arith.constant 0 : i32
    %while3A_18 = arith.constant 0 : i32
    %while3A_19 = arith.subi %get3A_0, %while3A_18 : i32
    %while3A_20 = arith.addi %while3A_18, %while3A_19 : i32
    %while3A_21 = arith.constant 1 : i32
    %while3A_22 = arith.divsi %while3A_19, %while3A_21 : i32
    %while3A_23 = arith.muli %while3A_22, %while3A_21 : i32
    %while3A_24 = arith.addi %while3A_18, %while3A_23 : i32
    %while3A_25 = arith.constant 1 : i32
    scf.for %while3A_27 = %while3A_18 to %while3A_24 step %while3A_25  : i32 {
      %rem3A = arith.constant 4 : i32
      %rem3A_28 = arith.remsi %while3A_27, %rem3A : i32
      %get3A_29 = arith.index_cast %while3A_27 : i32 to index
      %get3A_30 = memref.load %arg2[%get3A_29] : memref<64xi32, #tpu.memory_space<smem>>
      %dma_wait3A = arith.constant 0 : i32
      %dma_wait3A_31 = tpu.memref_slice %arg14[%rem3A_28] : memref<4x!tpu.dma_semaphore, #tpu.memory_space<semaphore_mem>> -> memref<1x!tpu.dma_semaphore, #tpu.memory_space<semaphore_mem>>
      %dma_wait3A_32 = tpu.memref_squeeze %dma_wait3A_31 : memref<1x!tpu.dma_semaphore, #tpu.memory_space<semaphore_mem>> -> memref<!tpu.dma_semaphore, #tpu.memory_space<semaphore_mem>>
      %dma_wait3A_33 = arith.constant 0 : i32
      %dma_wait3A_34 = arith.constant 0 : i32
      %dma_wait3A_35 = tpu.memref_slice %arg13[%rem3A_28, %dma_wait3A_33, %dma_wait3A_34] : memref<4x1536x768xf32, #tpu.memory_space<vmem>> -> memref<1x1536x768xf32, #tpu.memory_space<vmem>>
      %dma_wait3A_36 = tpu.memref_squeeze %dma_wait3A_35 : memref<1x1536x768xf32, #tpu.memory_space<vmem>> -> memref<1536x768xf32, #tpu.memory_space<vmem>>
      %dma_wait3A_37 = arith.constant 0 : i32
      %dma_wait3A_38 = arith.constant 0 : i32
      %dma_wait3A_39 = tpu.memref_slice %arg13[%dma_wait3A, %dma_wait3A_37, %dma_wait3A_38] : memref<4x1536x768xf32, #tpu.memory_space<vmem>> -> memref<1x1536x768xf32, #tpu.memory_space<vmem>>
      %dma_wait3A_40 = tpu.memref_squeeze %dma_wait3A_39 : memref<1x1536x768xf32, #tpu.memory_space<vmem>> -> memref<1536x768xf32, #tpu.memory_space<vmem>>
      tpu.wait_dma2 semaphore(%dma_wait3A_32 : memref<!tpu.dma_semaphore, #tpu.memory_space<semaphore_mem>>) src(%dma_wait3A_40 : memref<1536x768xf32, #tpu.memory_space<vmem>>) dst(%dma_wait3A_36 : memref<1536x768xf32, #tpu.memory_space<vmem>>)
      %get3A_41 = arith.index_cast %get3A_30 : i32 to index
      %get3A_42 = arith.constant 0 : index
      %get3A_43 = vector.load %arg10[%get3A_41, %get3A_42] : memref<64x768xf32, #tpu.memory_space<vmem>>, vector<1x768xf32>
      %get3A_44 = arith.index_cast %get3A_30 : i32 to index
      %get3A_45 = arith.constant 0 : index
      %get3A_46 = vector.load %arg11[%get3A_44, %get3A_45] : memref<64x768xf32, #tpu.memory_space<vmem>>, vector<1x768xf32>
      %get3A_47 = arith.index_cast %while3A_27 : i32 to index
      %get3A_48 = memref.load %arg3[%get3A_47] : memref<64xi32, #tpu.memory_space<smem>>
      %get3A_49 = arith.index_cast %while3A_27 : i32 to index
      %get3A_50 = memref.load %arg4[%get3A_49] : memref<64xi32, #tpu.memory_space<smem>>
      %while3A_51 = arith.constant 0 : i32
      %while3A_52 = arith.constant 0 : i32
      %while3A_53 = arith.subi %get3A_50, %while3A_52 : i32
      %while3A_54 = arith.addi %while3A_52, %while3A_53 : i32
      %while3A_55 = arith.constant 1 : i32
      %while3A_56 = arith.divsi %while3A_53, %while3A_55 : i32
      %while3A_57 = arith.muli %while3A_56, %while3A_55 : i32
      %while3A_58 = arith.addi %while3A_52, %while3A_57 : i32
      %while3A_59 = arith.constant 1 : i32
      scf.for %while3A_65 = %while3A_52 to %while3A_58 step %while3A_59  : i32 {
        %add3A_66 = arith.addi %get3A_48, %while3A_65 : i32
        %mul3A = arith.constant 8 : i32
        %mul3A_67 = arith.muli %add3A_66, %mul3A : i32
        %add3A_68 = arith.constant 0 : i32
        %add3A_69 = arith.addi %mul3A_67, %add3A_68 : i32
        %get3A_70 = arith.index_cast %add3A_69 : i32 to index
        %get3A_71 = memref.load %arg5[%get3A_70] : memref<768xi32, #tpu.memory_space<smem>>
        %get3A_72 = arith.index_cast %get3A_71 : i32 to index
        %get3A_73 = arith.constant 0 : index
        %get3A_74 = vector.load %arg7[%get3A_72, %get3A_73] : memref<256x768xf32, #tpu.memory_space<vmem>>, vector<1x768xf32>
        %add3A_75 = arith.constant 1 : i32
        %add3A_76 = arith.addi %mul3A_67, %add3A_75 : i32
        %get3A_77 = arith.index_cast %add3A_76 : i32 to index
        %get3A_78 = memref.load %arg5[%get3A_77] : memref<768xi32, #tpu.memory_space<smem>>
        %get3A_79 = arith.index_cast %get3A_78 : i32 to index
        %get3A_80 = arith.constant 0 : index
        %get3A_81 = vector.load %arg7[%get3A_79, %get3A_80] : memref<256x768xf32, #tpu.memory_space<vmem>>, vector<1x768xf32>
        %add3A_82 = arith.constant 2 : i32
        %add3A_83 = arith.addi %mul3A_67, %add3A_82 : i32
        %get3A_84 = arith.index_cast %add3A_83 : i32 to index
        %get3A_85 = memref.load %arg5[%get3A_84] : memref<768xi32, #tpu.memory_space<smem>>
        %get3A_86 = arith.index_cast %get3A_85 : i32 to index
        %get3A_87 = arith.constant 0 : index
        %get3A_88 = vector.load %arg7[%get3A_86, %get3A_87] : memref<256x768xf32, #tpu.memory_space<vmem>>, vector<1x768xf32>
        %add3A_89 = arith.constant 3 : i32
        %add3A_90 = arith.addi %mul3A_67, %add3A_89 : i32
        %get3A_91 = arith.index_cast %add3A_90 : i32 to index
        %get3A_92 = memref.load %arg5[%get3A_91] : memref<768xi32, #tpu.memory_space<smem>>
        %get3A_93 = arith.index_cast %get3A_92 : i32 to index
        %get3A_94 = arith.constant 0 : index
        %get3A_95 = vector.load %arg7[%get3A_93, %get3A_94] : memref<256x768xf32, #tpu.memory_space<vmem>>, vector<1x768xf32>
        %add3A_96 = arith.constant 4 : i32
        %add3A_97 = arith.addi %mul3A_67, %add3A_96 : i32
        %get3A_98 = arith.index_cast %add3A_97 : i32 to index
        %get3A_99 = memref.load %arg5[%get3A_98] : memref<768xi32, #tpu.memory_space<smem>>
        %get3A_100 = arith.index_cast %get3A_99 : i32 to index
        %get3A_101 = arith.constant 0 : index
        %get3A_102 = vector.load %arg7[%get3A_100, %get3A_101] : memref<256x768xf32, #tpu.memory_space<vmem>>, vector<1x768xf32>
        %add3A_103 = arith.constant 5 : i32
        %add3A_104 = arith.addi %mul3A_67, %add3A_103 : i32
        %get3A_105 = arith.index_cast %add3A_104 : i32 to index
        %get3A_106 = memref.load %arg5[%get3A_105] : memref<768xi32, #tpu.memory_space<smem>>
        %get3A_107 = arith.index_cast %get3A_106 : i32 to index
        %get3A_108 = arith.constant 0 : index
        %get3A_109 = vector.load %arg7[%get3A_107, %get3A_108] : memref<256x768xf32, #tpu.memory_space<vmem>>, vector<1x768xf32>
        %add3A_110 = arith.constant 6 : i32
        %add3A_111 = arith.addi %mul3A_67, %add3A_110 : i32
        %get3A_112 = arith.index_cast %add3A_111 : i32 to index
        %get3A_113 = memref.load %arg5[%get3A_112] : memref<768xi32, #tpu.memory_space<smem>>
        %get3A_114 = arith.index_cast %get3A_113 : i32 to index
        %get3A_115 = arith.constant 0 : index
        %get3A_116 = vector.load %arg7[%get3A_114, %get3A_115] : memref<256x768xf32, #tpu.memory_space<vmem>>, vector<1x768xf32>
        %add3A_117 = arith.constant 7 : i32
        %add3A_118 = arith.addi %mul3A_67, %add3A_117 : i32
        %get3A_119 = arith.index_cast %add3A_118 : i32 to index
        %get3A_120 = memref.load %arg5[%get3A_119] : memref<768xi32, #tpu.memory_space<smem>>
        %get3A_121 = arith.index_cast %get3A_120 : i32 to index
        %get3A_122 = arith.constant 0 : index
        %get3A_123 = vector.load %arg7[%get3A_121, %get3A_122] : memref<256x768xf32, #tpu.memory_space<vmem>>, vector<1x768xf32>
        %concatenate3A = tpu.concatenate %get3A_74, %get3A_81, %get3A_88, %get3A_95, %get3A_102, %get3A_109, %get3A_116, %get3A_123 in 0 : vector<1x768xf32>, vector<1x768xf32>, vector<1x768xf32>, vector<1x768xf32>, vector<1x768xf32>, vector<1x768xf32>, vector<1x768xf32>, vector<1x768xf32> -> vector<8x768xf32>
        %get3A_124 = arith.index_cast %rem3A_28 : i32 to index
        %get3A_125 = arith.constant 0 : index
        %get3A_126 = arith.constant 0 : index
        %get3A_127 = vector.load %arg13[%get3A_124, %get3A_125, %get3A_126] : memref<4x1536x768xf32, #tpu.memory_space<vmem>>, vector<1x768x768xf32>
        %get3A_128 = vector.shape_cast %get3A_127 : vector<1x768x768xf32> to vector<768x768xf32>
        %dot_general3A = arith.constant dense<0.000000e+00> : vector<8x768xf32>
        %dot_general3A_129 = tpu.matmul %concatenate3A, %get3A_128, %dot_general3A {dimension_numbers = #tpu.dot_dimension_numbers<[1], [0], [0], [1], [0, 0, 1, 1], [], []>, transpose_lhs_hint = false} : vector<8x768xf32>, vector<768x768xf32>, vector<8x768xf32> -> vector<8x768xf32>
        %add3A_130 = vector.broadcast %get3A_43 : vector<1x768xf32> to vector<8x768xf32>
        %add3A_131 = arith.addf %dot_general3A_129, %add3A_130 : vector<8x768xf32>
        %mul3A_132 = arith.constant 5.000000e-01 : f32
        %mul3A_133 = vector.broadcast %mul3A_132 : f32 to vector<8x768xf32>
        %mul3A_134 = arith.mulf %mul3A_133, %add3A_131 : vector<8x768xf32>
        %mul3A_135 = arith.constant 0.707106769 : f32
        %mul3A_136 = vector.broadcast %mul3A_135 : f32 to vector<8x768xf32>
        %mul3A_137 = arith.mulf %add3A_131, %mul3A_136 : vector<8x768xf32>
        %erf3A = math.erf %mul3A_137 : vector<8x768xf32>
        %add3A_138 = arith.constant 1.000000e+00 : f32
        %add3A_139 = vector.broadcast %add3A_138 : f32 to vector<8x768xf32>
        %add3A_140 = arith.addf %add3A_139, %erf3A : vector<8x768xf32>
        %mul3A_141 = arith.mulf %mul3A_134, %add3A_140 : vector<8x768xf32>
        %get3A_142 = arith.index_cast %rem3A_28 : i32 to index
        %get3A_143 = arith.constant 768 : index
        %get3A_144 = arith.constant 0 : index
        %get3A_145 = vector.load %arg13[%get3A_142, %get3A_143, %get3A_144] : memref<4x1536x768xf32, #tpu.memory_space<vmem>>, vector<1x768x768xf32>
        %get3A_146 = vector.shape_cast %get3A_145 : vector<1x768x768xf32> to vector<768x768xf32>
        %dot_general3A_147 = arith.constant dense<0.000000e+00> : vector<8x768xf32>
        %dot_general3A_148 = tpu.matmul %mul3A_141, %get3A_146, %dot_general3A_147 {dimension_numbers = #tpu.dot_dimension_numbers<[1], [0], [0], [1], [0, 0, 1, 1], [], []>, transpose_lhs_hint = false} : vector<8x768xf32>, vector<768x768xf32>, vector<8x768xf32> -> vector<8x768xf32>
        %add3A_149 = vector.broadcast %get3A_46 : vector<1x768xf32> to vector<8x768xf32>
        %add3A_150 = arith.addf %dot_general3A_148, %add3A_149 : vector<8x768xf32>
        %add3A_151 = arith.constant 0 : i32
        %add3A_152 = arith.addi %mul3A_67, %add3A_151 : i32
        %get3A_153 = arith.index_cast %add3A_152 : i32 to index
        %get3A_154 = memref.load %arg6[%get3A_153] : memref<768xi32, #tpu.memory_space<smem>>
        %eq3A = arith.constant 1 : i32
        %eq3A_155 = arith.cmpi eq, %get3A_154, %eq3A : i32
        %convert_element_type3A_156 = arith.extui %eq3A_155 : i1 to i32
        %cond3A_157 = arith.constant 0 : i32
        %cond3A_158 = arith.cmpi ne, %convert_element_type3A_156, %cond3A_157 : i32
        scf.if %cond3A_158 {
          %slice3A = vector.extract_strided_slice %add3A_150 {offsets = [0, 0], sizes = [1, 768], strides = [1, 1]} : vector<8x768xf32> to vector<1x768xf32>
          %add3A_222 = arith.constant 0 : i32
          %add3A_223 = arith.addi %mul3A_67, %add3A_222 : i32
          %get3A_224 = arith.index_cast %add3A_223 : i32 to index
          %get3A_225 = memref.load %arg5[%get3A_224] : memref<768xi32, #tpu.memory_space<smem>>
          %swap3A = arith.index_cast %get3A_225 : i32 to index
          %swap3A_226 = arith.constant 0 : index
          %swap3A_227 = vector.load %arg12[%swap3A, %swap3A_226] : memref<256x768xf32, #tpu.memory_space<vmem>>, vector<1x768xf32>
          tpu.vector_store %arg12[%swap3A, %swap3A_226], %slice3A {strides = array<i32>} : memref<256x768xf32, #tpu.memory_space<vmem>>, vector<1x768xf32>,
        } else {
        }
        %add3A_159 = arith.constant 1 : i32
        %add3A_160 = arith.addi %mul3A_67, %add3A_159 : i32
        %get3A_161 = arith.index_cast %add3A_160 : i32 to index
        %get3A_162 = memref.load %arg6[%get3A_161] : memref<768xi32, #tpu.memory_space<smem>>
        %eq3A_163 = arith.constant 1 : i32
        %eq3A_164 = arith.cmpi eq, %get3A_162, %eq3A_163 : i32
        %convert_element_type3A_165 = arith.extui %eq3A_164 : i1 to i32
        %cond3A_166 = arith.constant 0 : i32
        %cond3A_167 = arith.cmpi ne, %convert_element_type3A_165, %cond3A_166 : i32
        scf.if %cond3A_167 {
          %slice3A = vector.extract_strided_slice %add3A_150 {offsets = [1, 0], sizes = [1, 768], strides = [1, 1]} : vector<8x768xf32> to vector<1x768xf32>
          %add3A_222 = arith.constant 1 : i32
          %add3A_223 = arith.addi %mul3A_67, %add3A_222 : i32
          %get3A_224 = arith.index_cast %add3A_223 : i32 to index
          %get3A_225 = memref.load %arg5[%get3A_224] : memref<768xi32, #tpu.memory_space<smem>>
          %swap3A = arith.index_cast %get3A_225 : i32 to index
          %swap3A_226 = arith.constant 0 : index
          %swap3A_227 = vector.load %arg12[%swap3A, %swap3A_226] : memref<256x768xf32, #tpu.memory_space<vmem>>, vector<1x768xf32>
          tpu.vector_store %arg12[%swap3A, %swap3A_226], %slice3A {strides = array<i32>} : memref<256x768xf32, #tpu.memory_space<vmem>>, vector<1x768xf32>,
        } else {
        }
        %add3A_168 = arith.constant 2 : i32
        %add3A_169 = arith.addi %mul3A_67, %add3A_168 : i32
        %get3A_170 = arith.index_cast %add3A_169 : i32 to index
        %get3A_171 = memref.load %arg6[%get3A_170] : memref<768xi32, #tpu.memory_space<smem>>
        %eq3A_172 = arith.constant 1 : i32
        %eq3A_173 = arith.cmpi eq, %get3A_171, %eq3A_172 : i32
        %convert_element_type3A_174 = arith.extui %eq3A_173 : i1 to i32
        %cond3A_175 = arith.constant 0 : i32
        %cond3A_176 = arith.cmpi ne, %convert_element_type3A_174, %cond3A_175 : i32
        scf.if %cond3A_176 {
          %slice3A = vector.extract_strided_slice %add3A_150 {offsets = [2, 0], sizes = [1, 768], strides = [1, 1]} : vector<8x768xf32> to vector<1x768xf32>
          %add3A_222 = arith.constant 2 : i32
          %add3A_223 = arith.addi %mul3A_67, %add3A_222 : i32
          %get3A_224 = arith.index_cast %add3A_223 : i32 to index
          %get3A_225 = memref.load %arg5[%get3A_224] : memref<768xi32, #tpu.memory_space<smem>>
          %swap3A = arith.index_cast %get3A_225 : i32 to index
          %swap3A_226 = arith.constant 0 : index
          %swap3A_227 = vector.load %arg12[%swap3A, %swap3A_226] : memref<256x768xf32, #tpu.memory_space<vmem>>, vector<1x768xf32>
          tpu.vector_store %arg12[%swap3A, %swap3A_226], %slice3A {strides = array<i32>} : memref<256x768xf32, #tpu.memory_space<vmem>>, vector<1x768xf32>,
        } else {
        }
        %add3A_177 = arith.constant 3 : i32
        %add3A_178 = arith.addi %mul3A_67, %add3A_177 : i32
        %get3A_179 = arith.index_cast %add3A_178 : i32 to index
        %get3A_180 = memref.load %arg6[%get3A_179] : memref<768xi32, #tpu.memory_space<smem>>
        %eq3A_181 = arith.constant 1 : i32
        %eq3A_182 = arith.cmpi eq, %get3A_180, %eq3A_181 : i32
        %convert_element_type3A_183 = arith.extui %eq3A_182 : i1 to i32
        %cond3A_184 = arith.constant 0 : i32
        %cond3A_185 = arith.cmpi ne, %convert_element_type3A_183, %cond3A_184 : i32
        scf.if %cond3A_185 {
          %slice3A = vector.extract_strided_slice %add3A_150 {offsets = [3, 0], sizes = [1, 768], strides = [1, 1]} : vector<8x768xf32> to vector<1x768xf32>
          %add3A_222 = arith.constant 3 : i32
          %add3A_223 = arith.addi %mul3A_67, %add3A_222 : i32
          %get3A_224 = arith.index_cast %add3A_223 : i32 to index
          %get3A_225 = memref.load %arg5[%get3A_224] : memref<768xi32, #tpu.memory_space<smem>>
          %swap3A = arith.index_cast %get3A_225 : i32 to index
          %swap3A_226 = arith.constant 0 : index
          %swap3A_227 = vector.load %arg12[%swap3A, %swap3A_226] : memref<256x768xf32, #tpu.memory_space<vmem>>, vector<1x768xf32>
          tpu.vector_store %arg12[%swap3A, %swap3A_226], %slice3A {strides = array<i32>} : memref<256x768xf32, #tpu.memory_space<vmem>>, vector<1x768xf32>,
        } else {
        }
        %add3A_186 = arith.constant 4 : i32
        %add3A_187 = arith.addi %mul3A_67, %add3A_186 : i32
        %get3A_188 = arith.index_cast %add3A_187 : i32 to index
        %get3A_189 = memref.load %arg6[%get3A_188] : memref<768xi32, #tpu.memory_space<smem>>
        %eq3A_190 = arith.constant 1 : i32
        %eq3A_191 = arith.cmpi eq, %get3A_189, %eq3A_190 : i32
        %convert_element_type3A_192 = arith.extui %eq3A_191 : i1 to i32
        %cond3A_193 = arith.constant 0 : i32
        %cond3A_194 = arith.cmpi ne, %convert_element_type3A_192, %cond3A_193 : i32
        scf.if %cond3A_194 {
          %slice3A = vector.extract_strided_slice %add3A_150 {offsets = [4, 0], sizes = [1, 768], strides = [1, 1]} : vector<8x768xf32> to vector<1x768xf32>
          %add3A_222 = arith.constant 4 : i32
          %add3A_223 = arith.addi %mul3A_67, %add3A_222 : i32
          %get3A_224 = arith.index_cast %add3A_223 : i32 to index
          %get3A_225 = memref.load %arg5[%get3A_224] : memref<768xi32, #tpu.memory_space<smem>>
          %swap3A = arith.index_cast %get3A_225 : i32 to index
          %swap3A_226 = arith.constant 0 : index
          %swap3A_227 = vector.load %arg12[%swap3A, %swap3A_226] : memref<256x768xf32, #tpu.memory_space<vmem>>, vector<1x768xf32>
          tpu.vector_store %arg12[%swap3A, %swap3A_226], %slice3A {strides = array<i32>} : memref<256x768xf32, #tpu.memory_space<vmem>>, vector<1x768xf32>,
        } else {
        }
        %add3A_195 = arith.constant 5 : i32
        %add3A_196 = arith.addi %mul3A_67, %add3A_195 : i32
        %get3A_197 = arith.index_cast %add3A_196 : i32 to index
        %get3A_198 = memref.load %arg6[%get3A_197] : memref<768xi32, #tpu.memory_space<smem>>
        %eq3A_199 = arith.constant 1 : i32
        %eq3A_200 = arith.cmpi eq, %get3A_198, %eq3A_199 : i32
        %convert_element_type3A_201 = arith.extui %eq3A_200 : i1 to i32
        %cond3A_202 = arith.constant 0 : i32
        %cond3A_203 = arith.cmpi ne, %convert_element_type3A_201, %cond3A_202 : i32
        scf.if %cond3A_203 {
          %slice3A = vector.extract_strided_slice %add3A_150 {offsets = [5, 0], sizes = [1, 768], strides = [1, 1]} : vector<8x768xf32> to vector<1x768xf32>
          %add3A_222 = arith.constant 5 : i32
          %add3A_223 = arith.addi %mul3A_67, %add3A_222 : i32
          %get3A_224 = arith.index_cast %add3A_223 : i32 to index
          %get3A_225 = memref.load %arg5[%get3A_224] : memref<768xi32, #tpu.memory_space<smem>>
          %swap3A = arith.index_cast %get3A_225 : i32 to index
          %swap3A_226 = arith.constant 0 : index
          %swap3A_227 = vector.load %arg12[%swap3A, %swap3A_226] : memref<256x768xf32, #tpu.memory_space<vmem>>, vector<1x768xf32>
          tpu.vector_store %arg12[%swap3A, %swap3A_226], %slice3A {strides = array<i32>} : memref<256x768xf32, #tpu.memory_space<vmem>>, vector<1x768xf32>,
        } else {
        }
        %add3A_204 = arith.constant 6 : i32
        %add3A_205 = arith.addi %mul3A_67, %add3A_204 : i32
        %get3A_206 = arith.index_cast %add3A_205 : i32 to index
        %get3A_207 = memref.load %arg6[%get3A_206] : memref<768xi32, #tpu.memory_space<smem>>
        %eq3A_208 = arith.constant 1 : i32
        %eq3A_209 = arith.cmpi eq, %get3A_207, %eq3A_208 : i32
        %convert_element_type3A_210 = arith.extui %eq3A_209 : i1 to i32
        %cond3A_211 = arith.constant 0 : i32
        %cond3A_212 = arith.cmpi ne, %convert_element_type3A_210, %cond3A_211 : i32
        scf.if %cond3A_212 {
          %slice3A = vector.extract_strided_slice %add3A_150 {offsets = [6, 0], sizes = [1, 768], strides = [1, 1]} : vector<8x768xf32> to vector<1x768xf32>
          %add3A_222 = arith.constant 6 : i32
          %add3A_223 = arith.addi %mul3A_67, %add3A_222 : i32
          %get3A_224 = arith.index_cast %add3A_223 : i32 to index
          %get3A_225 = memref.load %arg5[%get3A_224] : memref<768xi32, #tpu.memory_space<smem>>
          %swap3A = arith.index_cast %get3A_225 : i32 to index
          %swap3A_226 = arith.constant 0 : index
          %swap3A_227 = vector.load %arg12[%swap3A, %swap3A_226] : memref<256x768xf32, #tpu.memory_space<vmem>>, vector<1x768xf32>
          tpu.vector_store %arg12[%swap3A, %swap3A_226], %slice3A {strides = array<i32>} : memref<256x768xf32, #tpu.memory_space<vmem>>, vector<1x768xf32>,
        } else {
        }
        %add3A_213 = arith.constant 7 : i32
        %add3A_214 = arith.addi %mul3A_67, %add3A_213 : i32
        %get3A_215 = arith.index_cast %add3A_214 : i32 to index
        %get3A_216 = memref.load %arg6[%get3A_215] : memref<768xi32, #tpu.memory_space<smem>>
        %eq3A_217 = arith.constant 1 : i32
        %eq3A_218 = arith.cmpi eq, %get3A_216, %eq3A_217 : i32
        %convert_element_type3A_219 = arith.extui %eq3A_218 : i1 to i32
        %cond3A_220 = arith.constant 0 : i32
        %cond3A_221 = arith.cmpi ne, %convert_element_type3A_219, %cond3A_220 : i32
        scf.if %cond3A_221 {
          %slice3A = vector.extract_strided_slice %add3A_150 {offsets = [7, 0], sizes = [1, 768], strides = [1, 1]} : vector<8x768xf32> to vector<1x768xf32>
          %add3A_222 = arith.constant 7 : i32
          %add3A_223 = arith.addi %mul3A_67, %add3A_222 : i32
          %get3A_224 = arith.index_cast %add3A_223 : i32 to index
          %get3A_225 = memref.load %arg5[%get3A_224] : memref<768xi32, #tpu.memory_space<smem>>
          %swap3A = arith.index_cast %get3A_225 : i32 to index
          %swap3A_226 = arith.constant 0 : index
          %swap3A_227 = vector.load %arg12[%swap3A, %swap3A_226] : memref<256x768xf32, #tpu.memory_space<vmem>>, vector<1x768xf32>
          tpu.vector_store %arg12[%swap3A, %swap3A_226], %slice3A {strides = array<i32>} : memref<256x768xf32, #tpu.memory_space<vmem>>, vector<1x768xf32>,
        } else {
        }
      }
      %while3A_60 = arith.constant 1 : i32
      scf.for %while3A_65 = %while3A_58 to %while3A_54 step %while3A_60  : i32 {
        %add3A_66 = arith.addi %get3A_48, %while3A_65 : i32
        %mul3A = arith.constant 8 : i32
        %mul3A_67 = arith.muli %add3A_66, %mul3A : i32
        %add3A_68 = arith.constant 0 : i32
        %add3A_69 = arith.addi %mul3A_67, %add3A_68 : i32
        %get3A_70 = arith.index_cast %add3A_69 : i32 to index
        %get3A_71 = memref.load %arg5[%get3A_70] : memref<768xi32, #tpu.memory_space<smem>>
        %get3A_72 = arith.index_cast %get3A_71 : i32 to index
        %get3A_73 = arith.constant 0 : index
        %get3A_74 = vector.load %arg7[%get3A_72, %get3A_73] : memref<256x768xf32, #tpu.memory_space<vmem>>, vector<1x768xf32>
        %add3A_75 = arith.constant 1 : i32
        %add3A_76 = arith.addi %mul3A_67, %add3A_75 : i32
        %get3A_77 = arith.index_cast %add3A_76 : i32 to index
        %get3A_78 = memref.load %arg5[%get3A_77] : memref<768xi32, #tpu.memory_space<smem>>
        %get3A_79 = arith.index_cast %get3A_78 : i32 to index
        %get3A_80 = arith.constant 0 : index
        %get3A_81 = vector.load %arg7[%get3A_79, %get3A_80] : memref<256x768xf32, #tpu.memory_space<vmem>>, vector<1x768xf32>
        %add3A_82 = arith.constant 2 : i32
        %add3A_83 = arith.addi %mul3A_67, %add3A_82 : i32
        %get3A_84 = arith.index_cast %add3A_83 : i32 to index
        %get3A_85 = memref.load %arg5[%get3A_84] : memref<768xi32, #tpu.memory_space<smem>>
        %get3A_86 = arith.index_cast %get3A_85 : i32 to index
        %get3A_87 = arith.constant 0 : index
        %get3A_88 = vector.load %arg7[%get3A_86, %get3A_87] : memref<256x768xf32, #tpu.memory_space<vmem>>, vector<1x768xf32>
        %add3A_89 = arith.constant 3 : i32
        %add3A_90 = arith.addi %mul3A_67, %add3A_89 : i32
        %get3A_91 = arith.index_cast %add3A_90 : i32 to index
        %get3A_92 = memref.load %arg5[%get3A_91] : memref<768xi32, #tpu.memory_space<smem>>
        %get3A_93 = arith.index_cast %get3A_92 : i32 to index
        %get3A_94 = arith.constant 0 : index
        %get3A_95 = vector.load %arg7[%get3A_93, %get3A_94] : memref<256x768xf32, #tpu.memory_space<vmem>>, vector<1x768xf32>
        %add3A_96 = arith.constant 4 : i32
        %add3A_97 = arith.addi %mul3A_67, %add3A_96 : i32
        %get3A_98 = arith.index_cast %add3A_97 : i32 to index
        %get3A_99 = memref.load %arg5[%get3A_98] : memref<768xi32, #tpu.memory_space<smem>>
        %get3A_100 = arith.index_cast %get3A_99 : i32 to index
        %get3A_101 = arith.constant 0 : index
        %get3A_102 = vector.load %arg7[%get3A_100, %get3A_101] : memref<256x768xf32, #tpu.memory_space<vmem>>, vector<1x768xf32>
        %add3A_103 = arith.constant 5 : i32
        %add3A_104 = arith.addi %mul3A_67, %add3A_103 : i32
        %get3A_105 = arith.index_cast %add3A_104 : i32 to index
        %get3A_106 = memref.load %arg5[%get3A_105] : memref<768xi32, #tpu.memory_space<smem>>
        %get3A_107 = arith.index_cast %get3A_106 : i32 to index
        %get3A_108 = arith.constant 0 : index
        %get3A_109 = vector.load %arg7[%get3A_107, %get3A_108] : memref<256x768xf32, #tpu.memory_space<vmem>>, vector<1x768xf32>
        %add3A_110 = arith.constant 6 : i32
        %add3A_111 = arith.addi %mul3A_67, %add3A_110 : i32
        %get3A_112 = arith.index_cast %add3A_111 : i32 to index
        %get3A_113 = memref.load %arg5[%get3A_112] : memref<768xi32, #tpu.memory_space<smem>>
        %get3A_114 = arith.index_cast %get3A_113 : i32 to index
        %get3A_115 = arith.constant 0 : index
        %get3A_116 = vector.load %arg7[%get3A_114, %get3A_115] : memref<256x768xf32, #tpu.memory_space<vmem>>, vector<1x768xf32>
        %add3A_117 = arith.constant 7 : i32
        %add3A_118 = arith.addi %mul3A_67, %add3A_117 : i32
        %get3A_119 = arith.index_cast %add3A_118 : i32 to index
        %get3A_120 = memref.load %arg5[%get3A_119] : memref<768xi32, #tpu.memory_space<smem>>
        %get3A_121 = arith.index_cast %get3A_120 : i32 to index
        %get3A_122 = arith.constant 0 : index
        %get3A_123 = vector.load %arg7[%get3A_121, %get3A_122] : memref<256x768xf32, #tpu.memory_space<vmem>>, vector<1x768xf32>
        %concatenate3A = tpu.concatenate %get3A_74, %get3A_81, %get3A_88, %get3A_95, %get3A_102, %get3A_109, %get3A_116, %get3A_123 in 0 : vector<1x768xf32>, vector<1x768xf32>, vector<1x768xf32>, vector<1x768xf32>, vector<1x768xf32>, vector<1x768xf32>, vector<1x768xf32>, vector<1x768xf32> -> vector<8x768xf32>
        %get3A_124 = arith.index_cast %rem3A_28 : i32 to index
        %get3A_125 = arith.constant 0 : index
        %get3A_126 = arith.constant 0 : index
        %get3A_127 = vector.load %arg13[%get3A_124, %get3A_125, %get3A_126] : memref<4x1536x768xf32, #tpu.memory_space<vmem>>, vector<1x768x768xf32>
        %get3A_128 = vector.shape_cast %get3A_127 : vector<1x768x768xf32> to vector<768x768xf32>
        %dot_general3A = arith.constant dense<0.000000e+00> : vector<8x768xf32>
        %dot_general3A_129 = tpu.matmul %concatenate3A, %get3A_128, %dot_general3A {dimension_numbers = #tpu.dot_dimension_numbers<[1], [0], [0], [1], [0, 0, 1, 1], [], []>, transpose_lhs_hint = false} : vector<8x768xf32>, vector<768x768xf32>, vector<8x768xf32> -> vector<8x768xf32>
        %add3A_130 = vector.broadcast %get3A_43 : vector<1x768xf32> to vector<8x768xf32>
        %add3A_131 = arith.addf %dot_general3A_129, %add3A_130 : vector<8x768xf32>
        %mul3A_132 = arith.constant 5.000000e-01 : f32
        %mul3A_133 = vector.broadcast %mul3A_132 : f32 to vector<8x768xf32>
        %mul3A_134 = arith.mulf %mul3A_133, %add3A_131 : vector<8x768xf32>
        %mul3A_135 = arith.constant 0.707106769 : f32
        %mul3A_136 = vector.broadcast %mul3A_135 : f32 to vector<8x768xf32>
        %mul3A_137 = arith.mulf %add3A_131, %mul3A_136 : vector<8x768xf32>
        %erf3A = math.erf %mul3A_137 : vector<8x768xf32>
        %add3A_138 = arith.constant 1.000000e+00 : f32
        %add3A_139 = vector.broadcast %add3A_138 : f32 to vector<8x768xf32>
        %add3A_140 = arith.addf %add3A_139, %erf3A : vector<8x768xf32>
        %mul3A_141 = arith.mulf %mul3A_134, %add3A_140 : vector<8x768xf32>
        %get3A_142 = arith.index_cast %rem3A_28 : i32 to index
        %get3A_143 = arith.constant 768 : index
        %get3A_144 = arith.constant 0 : index
        %get3A_145 = vector.load %arg13[%get3A_142, %get3A_143, %get3A_144] : memref<4x1536x768xf32, #tpu.memory_space<vmem>>, vector<1x768x768xf32>
        %get3A_146 = vector.shape_cast %get3A_145 : vector<1x768x768xf32> to vector<768x768xf32>
        %dot_general3A_147 = arith.constant dense<0.000000e+00> : vector<8x768xf32>
        %dot_general3A_148 = tpu.matmul %mul3A_141, %get3A_146, %dot_general3A_147 {dimension_numbers = #tpu.dot_dimension_numbers<[1], [0], [0], [1], [0, 0, 1, 1], [], []>, transpose_lhs_hint = false} : vector<8x768xf32>, vector<768x768xf32>, vector<8x768xf32> -> vector<8x768xf32>
        %add3A_149 = vector.broadcast %get3A_46 : vector<1x768xf32> to vector<8x768xf32>
        %add3A_150 = arith.addf %dot_general3A_148, %add3A_149 : vector<8x768xf32>
        %add3A_151 = arith.constant 0 : i32
        %add3A_152 = arith.addi %mul3A_67, %add3A_151 : i32
        %get3A_153 = arith.index_cast %add3A_152 : i32 to index
        %get3A_154 = memref.load %arg6[%get3A_153] : memref<768xi32, #tpu.memory_space<smem>>
        %eq3A = arith.constant 1 : i32
        %eq3A_155 = arith.cmpi eq, %get3A_154, %eq3A : i32
        %convert_element_type3A_156 = arith.extui %eq3A_155 : i1 to i32
        %cond3A_157 = arith.constant 0 : i32
        %cond3A_158 = arith.cmpi ne, %convert_element_type3A_156, %cond3A_157 : i32
        scf.if %cond3A_158 {
          %slice3A = vector.extract_strided_slice %add3A_150 {offsets = [0, 0], sizes = [1, 768], strides = [1, 1]} : vector<8x768xf32> to vector<1x768xf32>
          %add3A_222 = arith.constant 0 : i32
          %add3A_223 = arith.addi %mul3A_67, %add3A_222 : i32
          %get3A_224 = arith.index_cast %add3A_223 : i32 to index
          %get3A_225 = memref.load %arg5[%get3A_224] : memref<768xi32, #tpu.memory_space<smem>>
          %swap3A = arith.index_cast %get3A_225 : i32 to index
          %swap3A_226 = arith.constant 0 : index
          %swap3A_227 = vector.load %arg12[%swap3A, %swap3A_226] : memref<256x768xf32, #tpu.memory_space<vmem>>, vector<1x768xf32>
          tpu.vector_store %arg12[%swap3A, %swap3A_226], %slice3A {strides = array<i32>} : memref<256x768xf32, #tpu.memory_space<vmem>>, vector<1x768xf32>,
        } else {
        }
        %add3A_159 = arith.constant 1 : i32
        %add3A_160 = arith.addi %mul3A_67, %add3A_159 : i32
        %get3A_161 = arith.index_cast %add3A_160 : i32 to index
        %get3A_162 = memref.load %arg6[%get3A_161] : memref<768xi32, #tpu.memory_space<smem>>
        %eq3A_163 = arith.constant 1 : i32
        %eq3A_164 = arith.cmpi eq, %get3A_162, %eq3A_163 : i32
        %convert_element_type3A_165 = arith.extui %eq3A_164 : i1 to i32
        %cond3A_166 = arith.constant 0 : i32
        %cond3A_167 = arith.cmpi ne, %convert_element_type3A_165, %cond3A_166 : i32
        scf.if %cond3A_167 {
          %slice3A = vector.extract_strided_slice %add3A_150 {offsets = [1, 0], sizes = [1, 768], strides = [1, 1]} : vector<8x768xf32> to vector<1x768xf32>
          %add3A_222 = arith.constant 1 : i32
          %add3A_223 = arith.addi %mul3A_67, %add3A_222 : i32
          %get3A_224 = arith.index_cast %add3A_223 : i32 to index
          %get3A_225 = memref.load %arg5[%get3A_224] : memref<768xi32, #tpu.memory_space<smem>>
          %swap3A = arith.index_cast %get3A_225 : i32 to index
          %swap3A_226 = arith.constant 0 : index
          %swap3A_227 = vector.load %arg12[%swap3A, %swap3A_226] : memref<256x768xf32, #tpu.memory_space<vmem>>, vector<1x768xf32>
          tpu.vector_store %arg12[%swap3A, %swap3A_226], %slice3A {strides = array<i32>} : memref<256x768xf32, #tpu.memory_space<vmem>>, vector<1x768xf32>,
        } else {
        }
        %add3A_168 = arith.constant 2 : i32
        %add3A_169 = arith.addi %mul3A_67, %add3A_168 : i32
        %get3A_170 = arith.index_cast %add3A_169 : i32 to index
        %get3A_171 = memref.load %arg6[%get3A_170] : memref<768xi32, #tpu.memory_space<smem>>
        %eq3A_172 = arith.constant 1 : i32
        %eq3A_173 = arith.cmpi eq, %get3A_171, %eq3A_172 : i32
        %convert_element_type3A_174 = arith.extui %eq3A_173 : i1 to i32
        %cond3A_175 = arith.constant 0 : i32
        %cond3A_176 = arith.cmpi ne, %convert_element_type3A_174, %cond3A_175 : i32
        scf.if %cond3A_176 {
          %slice3A = vector.extract_strided_slice %add3A_150 {offsets = [2, 0], sizes = [1, 768], strides = [1, 1]} : vector<8x768xf32> to vector<1x768xf32>
          %add3A_222 = arith.constant 2 : i32
          %add3A_223 = arith.addi %mul3A_67, %add3A_222 : i32
          %get3A_224 = arith.index_cast %add3A_223 : i32 to index
          %get3A_225 = memref.load %arg5[%get3A_224] : memref<768xi32, #tpu.memory_space<smem>>
          %swap3A = arith.index_cast %get3A_225 : i32 to index
          %swap3A_226 = arith.constant 0 : index
          %swap3A_227 = vector.load %arg12[%swap3A, %swap3A_226] : memref<256x768xf32, #tpu.memory_space<vmem>>, vector<1x768xf32>
          tpu.vector_store %arg12[%swap3A, %swap3A_226], %slice3A {strides = array<i32>} : memref<256x768xf32, #tpu.memory_space<vmem>>, vector<1x768xf32>,
        } else {
        }
        %add3A_177 = arith.constant 3 : i32
        %add3A_178 = arith.addi %mul3A_67, %add3A_177 : i32
        %get3A_179 = arith.index_cast %add3A_178 : i32 to index
        %get3A_180 = memref.load %arg6[%get3A_179] : memref<768xi32, #tpu.memory_space<smem>>
        %eq3A_181 = arith.constant 1 : i32
        %eq3A_182 = arith.cmpi eq, %get3A_180, %eq3A_181 : i32
        %convert_element_type3A_183 = arith.extui %eq3A_182 : i1 to i32
        %cond3A_184 = arith.constant 0 : i32
        %cond3A_185 = arith.cmpi ne, %convert_element_type3A_183, %cond3A_184 : i32
        scf.if %cond3A_185 {
          %slice3A = vector.extract_strided_slice %add3A_150 {offsets = [3, 0], sizes = [1, 768], strides = [1, 1]} : vector<8x768xf32> to vector<1x768xf32>
          %add3A_222 = arith.constant 3 : i32
          %add3A_223 = arith.addi %mul3A_67, %add3A_222 : i32
          %get3A_224 = arith.index_cast %add3A_223 : i32 to index
          %get3A_225 = memref.load %arg5[%get3A_224] : memref<768xi32, #tpu.memory_space<smem>>
          %swap3A = arith.index_cast %get3A_225 : i32 to index
          %swap3A_226 = arith.constant 0 : index
          %swap3A_227 = vector.load %arg12[%swap3A, %swap3A_226] : memref<256x768xf32, #tpu.memory_space<vmem>>, vector<1x768xf32>
          tpu.vector_store %arg12[%swap3A, %swap3A_226], %slice3A {strides = array<i32>} : memref<256x768xf32, #tpu.memory_space<vmem>>, vector<1x768xf32>,
        } else {
        }
        %add3A_186 = arith.constant 4 : i32
        %add3A_187 = arith.addi %mul3A_67, %add3A_186 : i32
        %get3A_188 = arith.index_cast %add3A_187 : i32 to index
        %get3A_189 = memref.load %arg6[%get3A_188] : memref<768xi32, #tpu.memory_space<smem>>
        %eq3A_190 = arith.constant 1 : i32
        %eq3A_191 = arith.cmpi eq, %get3A_189, %eq3A_190 : i32
        %convert_element_type3A_192 = arith.extui %eq3A_191 : i1 to i32
        %cond3A_193 = arith.constant 0 : i32
        %cond3A_194 = arith.cmpi ne, %convert_element_type3A_192, %cond3A_193 : i32
        scf.if %cond3A_194 {
          %slice3A = vector.extract_strided_slice %add3A_150 {offsets = [4, 0], sizes = [1, 768], strides = [1, 1]} : vector<8x768xf32> to vector<1x768xf32>
          %add3A_222 = arith.constant 4 : i32
          %add3A_223 = arith.addi %mul3A_67, %add3A_222 : i32
          %get3A_224 = arith.index_cast %add3A_223 : i32 to index
          %get3A_225 = memref.load %arg5[%get3A_224] : memref<768xi32, #tpu.memory_space<smem>>
          %swap3A = arith.index_cast %get3A_225 : i32 to index
          %swap3A_226 = arith.constant 0 : index
          %swap3A_227 = vector.load %arg12[%swap3A, %swap3A_226] : memref<256x768xf32, #tpu.memory_space<vmem>>, vector<1x768xf32>
          tpu.vector_store %arg12[%swap3A, %swap3A_226], %slice3A {strides = array<i32>} : memref<256x768xf32, #tpu.memory_space<vmem>>, vector<1x768xf32>,
        } else {
        }
        %add3A_195 = arith.constant 5 : i32
        %add3A_196 = arith.addi %mul3A_67, %add3A_195 : i32
        %get3A_197 = arith.index_cast %add3A_196 : i32 to index
        %get3A_198 = memref.load %arg6[%get3A_197] : memref<768xi32, #tpu.memory_space<smem>>
        %eq3A_199 = arith.constant 1 : i32
        %eq3A_200 = arith.cmpi eq, %get3A_198, %eq3A_199 : i32
        %convert_element_type3A_201 = arith.extui %eq3A_200 : i1 to i32
        %cond3A_202 = arith.constant 0 : i32
        %cond3A_203 = arith.cmpi ne, %convert_element_type3A_201, %cond3A_202 : i32
        scf.if %cond3A_203 {
          %slice3A = vector.extract_strided_slice %add3A_150 {offsets = [5, 0], sizes = [1, 768], strides = [1, 1]} : vector<8x768xf32> to vector<1x768xf32>
          %add3A_222 = arith.constant 5 : i32
          %add3A_223 = arith.addi %mul3A_67, %add3A_222 : i32
          %get3A_224 = arith.index_cast %add3A_223 : i32 to index
          %get3A_225 = memref.load %arg5[%get3A_224] : memref<768xi32, #tpu.memory_space<smem>>
          %swap3A = arith.index_cast %get3A_225 : i32 to index
          %swap3A_226 = arith.constant 0 : index
          %swap3A_227 = vector.load %arg12[%swap3A, %swap3A_226] : memref<256x768xf32, #tpu.memory_space<vmem>>, vector<1x768xf32>
          tpu.vector_store %arg12[%swap3A, %swap3A_226], %slice3A {strides = array<i32>} : memref<256x768xf32, #tpu.memory_space<vmem>>, vector<1x768xf32>,
        } else {
        }
        %add3A_204 = arith.constant 6 : i32
        %add3A_205 = arith.addi %mul3A_67, %add3A_204 : i32
        %get3A_206 = arith.index_cast %add3A_205 : i32 to index
        %get3A_207 = memref.load %arg6[%get3A_206] : memref<768xi32, #tpu.memory_space<smem>>
        %eq3A_208 = arith.constant 1 : i32
        %eq3A_209 = arith.cmpi eq, %get3A_207, %eq3A_208 : i32
        %convert_element_type3A_210 = arith.extui %eq3A_209 : i1 to i32
        %cond3A_211 = arith.constant 0 : i32
        %cond3A_212 = arith.cmpi ne, %convert_element_type3A_210, %cond3A_211 : i32
        scf.if %cond3A_212 {
          %slice3A = vector.extract_strided_slice %add3A_150 {offsets = [6, 0], sizes = [1, 768], strides = [1, 1]} : vector<8x768xf32> to vector<1x768xf32>
          %add3A_222 = arith.constant 6 : i32
          %add3A_223 = arith.addi %mul3A_67, %add3A_222 : i32
          %get3A_224 = arith.index_cast %add3A_223 : i32 to index
          %get3A_225 = memref.load %arg5[%get3A_224] : memref<768xi32, #tpu.memory_space<smem>>
          %swap3A = arith.index_cast %get3A_225 : i32 to index
          %swap3A_226 = arith.constant 0 : index
          %swap3A_227 = vector.load %arg12[%swap3A, %swap3A_226] : memref<256x768xf32, #tpu.memory_space<vmem>>, vector<1x768xf32>
          tpu.vector_store %arg12[%swap3A, %swap3A_226], %slice3A {strides = array<i32>} : memref<256x768xf32, #tpu.memory_space<vmem>>, vector<1x768xf32>,
        } else {
        }
        %add3A_213 = arith.constant 7 : i32
        %add3A_214 = arith.addi %mul3A_67, %add3A_213 : i32
        %get3A_215 = arith.index_cast %add3A_214 : i32 to index
        %get3A_216 = memref.load %arg6[%get3A_215] : memref<768xi32, #tpu.memory_space<smem>>
        %eq3A_217 = arith.constant 1 : i32
        %eq3A_218 = arith.cmpi eq, %get3A_216, %eq3A_217 : i32
        %convert_element_type3A_219 = arith.extui %eq3A_218 : i1 to i32
        %cond3A_220 = arith.constant 0 : i32
        %cond3A_221 = arith.cmpi ne, %convert_element_type3A_219, %cond3A_220 : i32
        scf.if %cond3A_221 {
          %slice3A = vector.extract_strided_slice %add3A_150 {offsets = [7, 0], sizes = [1, 768], strides = [1, 1]} : vector<8x768xf32> to vector<1x768xf32>
          %add3A_222 = arith.constant 7 : i32
          %add3A_223 = arith.addi %mul3A_67, %add3A_222 : i32
          %get3A_224 = arith.index_cast %add3A_223 : i32 to index
          %get3A_225 = memref.load %arg5[%get3A_224] : memref<768xi32, #tpu.memory_space<smem>>
          %swap3A = arith.index_cast %get3A_225 : i32 to index
          %swap3A_226 = arith.constant 0 : index
          %swap3A_227 = vector.load %arg12[%swap3A, %swap3A_226] : memref<256x768xf32, #tpu.memory_space<vmem>>, vector<1x768xf32>
          tpu.vector_store %arg12[%swap3A, %swap3A_226], %slice3A {strides = array<i32>} : memref<256x768xf32, #tpu.memory_space<vmem>>, vector<1x768xf32>,
        } else {
        }
      }
      %add3A = arith.constant 4 : i32
      %add3A_61 = arith.addi %while3A_27, %add3A : i32
      %lt3A = arith.cmpi slt, %add3A_61, %get3A_0 : i32
      %convert_element_type3A_62 = arith.extui %lt3A : i1 to i32
      %cond3A_63 = arith.constant 0 : i32
      %cond3A_64 = arith.cmpi ne, %convert_element_type3A_62, %cond3A_63 : i32
      scf.if %cond3A_64 {
        %add3A_65 = arith.constant 4 : i32
        %add3A_66 = arith.addi %while3A_27, %add3A_65 : i32
        %get3A_67 = arith.index_cast %add3A_66 : i32 to index
        %get3A_68 = memref.load %arg2[%get3A_67] : memref<64xi32, #tpu.memory_space<smem>>
        %rem3A_69 = arith.constant 4 : i32
        %rem3A_70 = arith.remsi %add3A_66, %rem3A_69 : i32
        %dma_start3A = tpu.memref_slice %arg14[%rem3A_70] : memref<4x!tpu.dma_semaphore, #tpu.memory_space<semaphore_mem>> -> memref<1x!tpu.dma_semaphore, #tpu.memory_space<semaphore_mem>>
        %dma_start3A_71 = tpu.memref_squeeze %dma_start3A : memref<1x!tpu.dma_semaphore, #tpu.memory_space<semaphore_mem>> -> memref<!tpu.dma_semaphore, #tpu.memory_space<semaphore_mem>>
        %dma_start3A_72 = arith.constant 0 : i32
        %dma_start3A_73 = arith.constant 0 : i32
        %dma_start3A_74 = tpu.memref_slice %arg13[%rem3A_70, %dma_start3A_72, %dma_start3A_73] : memref<4x1536x768xf32, #tpu.memory_space<vmem>> -> memref<1x768x768xf32, #tpu.memory_space<vmem>>
        %dma_start3A_75 = tpu.memref_squeeze %dma_start3A_74 : memref<1x768x768xf32, #tpu.memory_space<vmem>> -> memref<768x768xf32, #tpu.memory_space<vmem>>
        %dma_start3A_76 = arith.constant 0 : i32
        %dma_start3A_77 = arith.constant 0 : i32
        %dma_start3A_78 = tpu.memref_slice %arg8[%get3A_68, %dma_start3A_76, %dma_start3A_77] : memref<64x768x768xf32, #tpu.memory_space<any>> -> memref<1x768x768xf32, #tpu.memory_space<any>>
        %dma_start3A_79 = tpu.memref_squeeze %dma_start3A_78 : memref<1x768x768xf32, #tpu.memory_space<any>> -> memref<768x768xf32, #tpu.memory_space<any>>
        tpu.enqueue_dma source(%dma_start3A_79 : memref<768x768xf32, #tpu.memory_space<any>>) target(%dma_start3A_75 : memref<768x768xf32, #tpu.memory_space<vmem>>) target_semaphore(%dma_start3A_71 : memref<!tpu.dma_semaphore, #tpu.memory_space<semaphore_mem>>)
        %dma_start3A_80 = tpu.memref_slice %arg14[%rem3A_70] : memref<4x!tpu.dma_semaphore, #tpu.memory_space<semaphore_mem>> -> memref<1x!tpu.dma_semaphore, #tpu.memory_space<semaphore_mem>>
        %dma_start3A_81 = tpu.memref_squeeze %dma_start3A_80 : memref<1x!tpu.dma_semaphore, #tpu.memory_space<semaphore_mem>> -> memref<!tpu.dma_semaphore, #tpu.memory_space<semaphore_mem>>
        %dma_start3A_82 = arith.constant 768 : i32
        %dma_start3A_83 = arith.constant 0 : i32
        %dma_start3A_84 = tpu.memref_slice %arg13[%rem3A_70, %dma_start3A_82, %dma_start3A_83] : memref<4x1536x768xf32, #tpu.memory_space<vmem>> -> memref<1x768x768xf32, #tpu.memory_space<vmem>>
        %dma_start3A_85 = tpu.memref_squeeze %dma_start3A_84 : memref<1x768x768xf32, #tpu.memory_space<vmem>> -> memref<768x768xf32, #tpu.memory_space<vmem>>
        %dma_start3A_86 = arith.constant 0 : i32
        %dma_start3A_87 = arith.constant 0 : i32
        %dma_start3A_88 = tpu.memref_slice %arg9[%get3A_68, %dma_start3A_86, %dma_start3A_87] : memref<64x768x768xf32, #tpu.memory_space<any>> -> memref<1x768x768xf32, #tpu.memory_space<any>>
        %dma_start3A_89 = tpu.memref_squeeze %dma_start3A_88 : memref<1x768x768xf32, #tpu.memory_space<any>> -> memref<768x768xf32, #tpu.memory_space<any>>
        tpu.enqueue_dma source(%dma_start3A_89 : memref<768x768xf32, #tpu.memory_space<any>>) target(%dma_start3A_85 : memref<768x768xf32, #tpu.memory_space<vmem>>) target_semaphore(%dma_start3A_81 : memref<!tpu.dma_semaphore, #tpu.memory_space<semaphore_mem>>)
      } else {
      }
    }
    %while3A_26 = arith.constant 1 : i32
    scf.for %while3A_27 = %while3A_24 to %while3A_20 step %while3A_26  : i32 {
      %rem3A = arith.constant 4 : i32
      %rem3A_28 = arith.remsi %while3A_27, %rem3A : i32
      %get3A_29 = arith.index_cast %while3A_27 : i32 to index
      %get3A_30 = memref.load %arg2[%get3A_29] : memref<64xi32, #tpu.memory_space<smem>>
      %dma_wait3A = arith.constant 0 : i32
      %dma_wait3A_31 = tpu.memref_slice %arg14[%rem3A_28] : memref<4x!tpu.dma_semaphore, #tpu.memory_space<semaphore_mem>> -> memref<1x!tpu.dma_semaphore, #tpu.memory_space<semaphore_mem>>
      %dma_wait3A_32 = tpu.memref_squeeze %dma_wait3A_31 : memref<1x!tpu.dma_semaphore, #tpu.memory_space<semaphore_mem>> -> memref<!tpu.dma_semaphore, #tpu.memory_space<semaphore_mem>>
      %dma_wait3A_33 = arith.constant 0 : i32
      %dma_wait3A_34 = arith.constant 0 : i32
      %dma_wait3A_35 = tpu.memref_slice %arg13[%rem3A_28, %dma_wait3A_33, %dma_wait3A_34] : memref<4x1536x768xf32, #tpu.memory_space<vmem>> -> memref<1x1536x768xf32, #tpu.memory_space<vmem>>
      %dma_wait3A_36 = tpu.memref_squeeze %dma_wait3A_35 : memref<1x1536x768xf32, #tpu.memory_space<vmem>> -> memref<1536x768xf32, #tpu.memory_space<vmem>>
      %dma_wait3A_37 = arith.constant 0 : i32
      %dma_wait3A_38 = arith.constant 0 : i32
      %dma_wait3A_39 = tpu.memref_slice %arg13[%dma_wait3A, %dma_wait3A_37, %dma_wait3A_38] : memref<4x1536x768xf32, #tpu.memory_space<vmem>> -> memref<1x1536x768xf32, #tpu.memory_space<vmem>>
      %dma_wait3A_40 = tpu.memref_squeeze %dma_wait3A_39 : memref<1x1536x768xf32, #tpu.memory_space<vmem>> -> memref<1536x768xf32, #tpu.memory_space<vmem>>
      tpu.wait_dma2 semaphore(%dma_wait3A_32 : memref<!tpu.dma_semaphore, #tpu.memory_space<semaphore_mem>>) src(%dma_wait3A_40 : memref<1536x768xf32, #tpu.memory_space<vmem>>) dst(%dma_wait3A_36 : memref<1536x768xf32, #tpu.memory_space<vmem>>)
      %get3A_41 = arith.index_cast %get3A_30 : i32 to index
      %get3A_42 = arith.constant 0 : index
      %get3A_43 = vector.load %arg10[%get3A_41, %get3A_42] : memref<64x768xf32, #tpu.memory_space<vmem>>, vector<1x768xf32>
      %get3A_44 = arith.index_cast %get3A_30 : i32 to index
      %get3A_45 = arith.constant 0 : index
      %get3A_46 = vector.load %arg11[%get3A_44, %get3A_45] : memref<64x768xf32, #tpu.memory_space<vmem>>, vector<1x768xf32>
      %get3A_47 = arith.index_cast %while3A_27 : i32 to index
      %get3A_48 = memref.load %arg3[%get3A_47] : memref<64xi32, #tpu.memory_space<smem>>
      %get3A_49 = arith.index_cast %while3A_27 : i32 to index
      %get3A_50 = memref.load %arg4[%get3A_49] : memref<64xi32, #tpu.memory_space<smem>>
      %while3A_51 = arith.constant 0 : i32
      %while3A_52 = arith.constant 0 : i32
      %while3A_53 = arith.subi %get3A_50, %while3A_52 : i32
      %while3A_54 = arith.addi %while3A_52, %while3A_53 : i32
      %while3A_55 = arith.constant 1 : i32
      %while3A_56 = arith.divsi %while3A_53, %while3A_55 : i32
      %while3A_57 = arith.muli %while3A_56, %while3A_55 : i32
      %while3A_58 = arith.addi %while3A_52, %while3A_57 : i32
      %while3A_59 = arith.constant 1 : i32
      scf.for %while3A_65 = %while3A_52 to %while3A_58 step %while3A_59  : i32 {
        %add3A_66 = arith.addi %get3A_48, %while3A_65 : i32
        %mul3A = arith.constant 8 : i32
        %mul3A_67 = arith.muli %add3A_66, %mul3A : i32
        %add3A_68 = arith.constant 0 : i32
        %add3A_69 = arith.addi %mul3A_67, %add3A_68 : i32
        %get3A_70 = arith.index_cast %add3A_69 : i32 to index
        %get3A_71 = memref.load %arg5[%get3A_70] : memref<768xi32, #tpu.memory_space<smem>>
        %get3A_72 = arith.index_cast %get3A_71 : i32 to index
        %get3A_73 = arith.constant 0 : index
        %get3A_74 = vector.load %arg7[%get3A_72, %get3A_73] : memref<256x768xf32, #tpu.memory_space<vmem>>, vector<1x768xf32>
        %add3A_75 = arith.constant 1 : i32
        %add3A_76 = arith.addi %mul3A_67, %add3A_75 : i32
        %get3A_77 = arith.index_cast %add3A_76 : i32 to index
        %get3A_78 = memref.load %arg5[%get3A_77] : memref<768xi32, #tpu.memory_space<smem>>
        %get3A_79 = arith.index_cast %get3A_78 : i32 to index
        %get3A_80 = arith.constant 0 : index
        %get3A_81 = vector.load %arg7[%get3A_79, %get3A_80] : memref<256x768xf32, #tpu.memory_space<vmem>>, vector<1x768xf32>
        %add3A_82 = arith.constant 2 : i32
        %add3A_83 = arith.addi %mul3A_67, %add3A_82 : i32
        %get3A_84 = arith.index_cast %add3A_83 : i32 to index
        %get3A_85 = memref.load %arg5[%get3A_84] : memref<768xi32, #tpu.memory_space<smem>>
        %get3A_86 = arith.index_cast %get3A_85 : i32 to index
        %get3A_87 = arith.constant 0 : index
        %get3A_88 = vector.load %arg7[%get3A_86, %get3A_87] : memref<256x768xf32, #tpu.memory_space<vmem>>, vector<1x768xf32>
        %add3A_89 = arith.constant 3 : i32
        %add3A_90 = arith.addi %mul3A_67, %add3A_89 : i32
        %get3A_91 = arith.index_cast %add3A_90 : i32 to index
        %get3A_92 = memref.load %arg5[%get3A_91] : memref<768xi32, #tpu.memory_space<smem>>
        %get3A_93 = arith.index_cast %get3A_92 : i32 to index
        %get3A_94 = arith.constant 0 : index
        %get3A_95 = vector.load %arg7[%get3A_93, %get3A_94] : memref<256x768xf32, #tpu.memory_space<vmem>>, vector<1x768xf32>
        %add3A_96 = arith.constant 4 : i32
        %add3A_97 = arith.addi %mul3A_67, %add3A_96 : i32
        %get3A_98 = arith.index_cast %add3A_97 : i32 to index
        %get3A_99 = memref.load %arg5[%get3A_98] : memref<768xi32, #tpu.memory_space<smem>>
        %get3A_100 = arith.index_cast %get3A_99 : i32 to index
        %get3A_101 = arith.constant 0 : index
        %get3A_102 = vector.load %arg7[%get3A_100, %get3A_101] : memref<256x768xf32, #tpu.memory_space<vmem>>, vector<1x768xf32>
        %add3A_103 = arith.constant 5 : i32
        %add3A_104 = arith.addi %mul3A_67, %add3A_103 : i32
        %get3A_105 = arith.index_cast %add3A_104 : i32 to index
        %get3A_106 = memref.load %arg5[%get3A_105] : memref<768xi32, #tpu.memory_space<smem>>
        %get3A_107 = arith.index_cast %get3A_106 : i32 to index
        %get3A_108 = arith.constant 0 : index
        %get3A_109 = vector.load %arg7[%get3A_107, %get3A_108] : memref<256x768xf32, #tpu.memory_space<vmem>>, vector<1x768xf32>
        %add3A_110 = arith.constant 6 : i32
        %add3A_111 = arith.addi %mul3A_67, %add3A_110 : i32
        %get3A_112 = arith.index_cast %add3A_111 : i32 to index
        %get3A_113 = memref.load %arg5[%get3A_112] : memref<768xi32, #tpu.memory_space<smem>>
        %get3A_114 = arith.index_cast %get3A_113 : i32 to index
        %get3A_115 = arith.constant 0 : index
        %get3A_116 = vector.load %arg7[%get3A_114, %get3A_115] : memref<256x768xf32, #tpu.memory_space<vmem>>, vector<1x768xf32>
        %add3A_117 = arith.constant 7 : i32
        %add3A_118 = arith.addi %mul3A_67, %add3A_117 : i32
        %get3A_119 = arith.index_cast %add3A_118 : i32 to index
        %get3A_120 = memref.load %arg5[%get3A_119] : memref<768xi32, #tpu.memory_space<smem>>
        %get3A_121 = arith.index_cast %get3A_120 : i32 to index
        %get3A_122 = arith.constant 0 : index
        %get3A_123 = vector.load %arg7[%get3A_121, %get3A_122] : memref<256x768xf32, #tpu.memory_space<vmem>>, vector<1x768xf32>
        %concatenate3A = tpu.concatenate %get3A_74, %get3A_81, %get3A_88, %get3A_95, %get3A_102, %get3A_109, %get3A_116, %get3A_123 in 0 : vector<1x768xf32>, vector<1x768xf32>, vector<1x768xf32>, vector<1x768xf32>, vector<1x768xf32>, vector<1x768xf32>, vector<1x768xf32>, vector<1x768xf32> -> vector<8x768xf32>
        %get3A_124 = arith.index_cast %rem3A_28 : i32 to index
        %get3A_125 = arith.constant 0 : index
        %get3A_126 = arith.constant 0 : index
        %get3A_127 = vector.load %arg13[%get3A_124, %get3A_125, %get3A_126] : memref<4x1536x768xf32, #tpu.memory_space<vmem>>, vector<1x768x768xf32>
        %get3A_128 = vector.shape_cast %get3A_127 : vector<1x768x768xf32> to vector<768x768xf32>
        %dot_general3A = arith.constant dense<0.000000e+00> : vector<8x768xf32>
        %dot_general3A_129 = tpu.matmul %concatenate3A, %get3A_128, %dot_general3A {dimension_numbers = #tpu.dot_dimension_numbers<[1], [0], [0], [1], [0, 0, 1, 1], [], []>, transpose_lhs_hint = false} : vector<8x768xf32>, vector<768x768xf32>, vector<8x768xf32> -> vector<8x768xf32>
        %add3A_130 = vector.broadcast %get3A_43 : vector<1x768xf32> to vector<8x768xf32>
        %add3A_131 = arith.addf %dot_general3A_129, %add3A_130 : vector<8x768xf32>
        %mul3A_132 = arith.constant 5.000000e-01 : f32
        %mul3A_133 = vector.broadcast %mul3A_132 : f32 to vector<8x768xf32>
        %mul3A_134 = arith.mulf %mul3A_133, %add3A_131 : vector<8x768xf32>
        %mul3A_135 = arith.constant 0.707106769 : f32
        %mul3A_136 = vector.broadcast %mul3A_135 : f32 to vector<8x768xf32>
        %mul3A_137 = arith.mulf %add3A_131, %mul3A_136 : vector<8x768xf32>
        %erf3A = math.erf %mul3A_137 : vector<8x768xf32>
        %add3A_138 = arith.constant 1.000000e+00 : f32
        %add3A_139 = vector.broadcast %add3A_138 : f32 to vector<8x768xf32>
        %add3A_140 = arith.addf %add3A_139, %erf3A : vector<8x768xf32>
        %mul3A_141 = arith.mulf %mul3A_134, %add3A_140 : vector<8x768xf32>
        %get3A_142 = arith.index_cast %rem3A_28 : i32 to index
        %get3A_143 = arith.constant 768 : index
        %get3A_144 = arith.constant 0 : index
        %get3A_145 = vector.load %arg13[%get3A_142, %get3A_143, %get3A_144] : memref<4x1536x768xf32, #tpu.memory_space<vmem>>, vector<1x768x768xf32>
        %get3A_146 = vector.shape_cast %get3A_145 : vector<1x768x768xf32> to vector<768x768xf32>
        %dot_general3A_147 = arith.constant dense<0.000000e+00> : vector<8x768xf32>
        %dot_general3A_148 = tpu.matmul %mul3A_141, %get3A_146, %dot_general3A_147 {dimension_numbers = #tpu.dot_dimension_numbers<[1], [0], [0], [1], [0, 0, 1, 1], [], []>, transpose_lhs_hint = false} : vector<8x768xf32>, vector<768x768xf32>, vector<8x768xf32> -> vector<8x768xf32>
        %add3A_149 = vector.broadcast %get3A_46 : vector<1x768xf32> to vector<8x768xf32>
        %add3A_150 = arith.addf %dot_general3A_148, %add3A_149 : vector<8x768xf32>
        %add3A_151 = arith.constant 0 : i32
        %add3A_152 = arith.addi %mul3A_67, %add3A_151 : i32
        %get3A_153 = arith.index_cast %add3A_152 : i32 to index
        %get3A_154 = memref.load %arg6[%get3A_153] : memref<768xi32, #tpu.memory_space<smem>>
        %eq3A = arith.constant 1 : i32
        %eq3A_155 = arith.cmpi eq, %get3A_154, %eq3A : i32
        %convert_element_type3A_156 = arith.extui %eq3A_155 : i1 to i32
        %cond3A_157 = arith.constant 0 : i32
        %cond3A_158 = arith.cmpi ne, %convert_element_type3A_156, %cond3A_157 : i32
        scf.if %cond3A_158 {
          %slice3A = vector.extract_strided_slice %add3A_150 {offsets = [0, 0], sizes = [1, 768], strides = [1, 1]} : vector<8x768xf32> to vector<1x768xf32>
          %add3A_222 = arith.constant 0 : i32
          %add3A_223 = arith.addi %mul3A_67, %add3A_222 : i32
          %get3A_224 = arith.index_cast %add3A_223 : i32 to index
          %get3A_225 = memref.load %arg5[%get3A_224] : memref<768xi32, #tpu.memory_space<smem>>
          %swap3A = arith.index_cast %get3A_225 : i32 to index
          %swap3A_226 = arith.constant 0 : index
          %swap3A_227 = vector.load %arg12[%swap3A, %swap3A_226] : memref<256x768xf32, #tpu.memory_space<vmem>>, vector<1x768xf32>
          tpu.vector_store %arg12[%swap3A, %swap3A_226], %slice3A {strides = array<i32>} : memref<256x768xf32, #tpu.memory_space<vmem>>, vector<1x768xf32>,
        } else {
        }
        %add3A_159 = arith.constant 1 : i32
        %add3A_160 = arith.addi %mul3A_67, %add3A_159 : i32
        %get3A_161 = arith.index_cast %add3A_160 : i32 to index
        %get3A_162 = memref.load %arg6[%get3A_161] : memref<768xi32, #tpu.memory_space<smem>>
        %eq3A_163 = arith.constant 1 : i32
        %eq3A_164 = arith.cmpi eq, %get3A_162, %eq3A_163 : i32
        %convert_element_type3A_165 = arith.extui %eq3A_164 : i1 to i32
        %cond3A_166 = arith.constant 0 : i32
        %cond3A_167 = arith.cmpi ne, %convert_element_type3A_165, %cond3A_166 : i32
        scf.if %cond3A_167 {
          %slice3A = vector.extract_strided_slice %add3A_150 {offsets = [1, 0], sizes = [1, 768], strides = [1, 1]} : vector<8x768xf32> to vector<1x768xf32>
          %add3A_222 = arith.constant 1 : i32
          %add3A_223 = arith.addi %mul3A_67, %add3A_222 : i32
          %get3A_224 = arith.index_cast %add3A_223 : i32 to index
          %get3A_225 = memref.load %arg5[%get3A_224] : memref<768xi32, #tpu.memory_space<smem>>
          %swap3A = arith.index_cast %get3A_225 : i32 to index
          %swap3A_226 = arith.constant 0 : index
          %swap3A_227 = vector.load %arg12[%swap3A, %swap3A_226] : memref<256x768xf32, #tpu.memory_space<vmem>>, vector<1x768xf32>
          tpu.vector_store %arg12[%swap3A, %swap3A_226], %slice3A {strides = array<i32>} : memref<256x768xf32, #tpu.memory_space<vmem>>, vector<1x768xf32>,
        } else {
        }
        %add3A_168 = arith.constant 2 : i32
        %add3A_169 = arith.addi %mul3A_67, %add3A_168 : i32
        %get3A_170 = arith.index_cast %add3A_169 : i32 to index
        %get3A_171 = memref.load %arg6[%get3A_170] : memref<768xi32, #tpu.memory_space<smem>>
        %eq3A_172 = arith.constant 1 : i32
        %eq3A_173 = arith.cmpi eq, %get3A_171, %eq3A_172 : i32
        %convert_element_type3A_174 = arith.extui %eq3A_173 : i1 to i32
        %cond3A_175 = arith.constant 0 : i32
        %cond3A_176 = arith.cmpi ne, %convert_element_type3A_174, %cond3A_175 : i32
        scf.if %cond3A_176 {
          %slice3A = vector.extract_strided_slice %add3A_150 {offsets = [2, 0], sizes = [1, 768], strides = [1, 1]} : vector<8x768xf32> to vector<1x768xf32>
          %add3A_222 = arith.constant 2 : i32
          %add3A_223 = arith.addi %mul3A_67, %add3A_222 : i32
          %get3A_224 = arith.index_cast %add3A_223 : i32 to index
          %get3A_225 = memref.load %arg5[%get3A_224] : memref<768xi32, #tpu.memory_space<smem>>
          %swap3A = arith.index_cast %get3A_225 : i32 to index
          %swap3A_226 = arith.constant 0 : index
          %swap3A_227 = vector.load %arg12[%swap3A, %swap3A_226] : memref<256x768xf32, #tpu.memory_space<vmem>>, vector<1x768xf32>
          tpu.vector_store %arg12[%swap3A, %swap3A_226], %slice3A {strides = array<i32>} : memref<256x768xf32, #tpu.memory_space<vmem>>, vector<1x768xf32>,
        } else {
        }
        %add3A_177 = arith.constant 3 : i32
        %add3A_178 = arith.addi %mul3A_67, %add3A_177 : i32
        %get3A_179 = arith.index_cast %add3A_178 : i32 to index
        %get3A_180 = memref.load %arg6[%get3A_179] : memref<768xi32, #tpu.memory_space<smem>>
        %eq3A_181 = arith.constant 1 : i32
        %eq3A_182 = arith.cmpi eq, %get3A_180, %eq3A_181 : i32
        %convert_element_type3A_183 = arith.extui %eq3A_182 : i1 to i32
        %cond3A_184 = arith.constant 0 : i32
        %cond3A_185 = arith.cmpi ne, %convert_element_type3A_183, %cond3A_184 : i32
        scf.if %cond3A_185 {
          %slice3A = vector.extract_strided_slice %add3A_150 {offsets = [3, 0], sizes = [1, 768], strides = [1, 1]} : vector<8x768xf32> to vector<1x768xf32>
          %add3A_222 = arith.constant 3 : i32
          %add3A_223 = arith.addi %mul3A_67, %add3A_222 : i32
          %get3A_224 = arith.index_cast %add3A_223 : i32 to index
          %get3A_225 = memref.load %arg5[%get3A_224] : memref<768xi32, #tpu.memory_space<smem>>
          %swap3A = arith.index_cast %get3A_225 : i32 to index
          %swap3A_226 = arith.constant 0 : index
          %swap3A_227 = vector.load %arg12[%swap3A, %swap3A_226] : memref<256x768xf32, #tpu.memory_space<vmem>>, vector<1x768xf32>
          tpu.vector_store %arg12[%swap3A, %swap3A_226], %slice3A {strides = array<i32>} : memref<256x768xf32, #tpu.memory_space<vmem>>, vector<1x768xf32>,
        } else {
        }
        %add3A_186 = arith.constant 4 : i32
        %add3A_187 = arith.addi %mul3A_67, %add3A_186 : i32
        %get3A_188 = arith.index_cast %add3A_187 : i32 to index
        %get3A_189 = memref.load %arg6[%get3A_188] : memref<768xi32, #tpu.memory_space<smem>>
        %eq3A_190 = arith.constant 1 : i32
        %eq3A_191 = arith.cmpi eq, %get3A_189, %eq3A_190 : i32
        %convert_element_type3A_192 = arith.extui %eq3A_191 : i1 to i32
        %cond3A_193 = arith.constant 0 : i32
        %cond3A_194 = arith.cmpi ne, %convert_element_type3A_192, %cond3A_193 : i32
        scf.if %cond3A_194 {
          %slice3A = vector.extract_strided_slice %add3A_150 {offsets = [4, 0], sizes = [1, 768], strides = [1, 1]} : vector<8x768xf32> to vector<1x768xf32>
          %add3A_222 = arith.constant 4 : i32
          %add3A_223 = arith.addi %mul3A_67, %add3A_222 : i32
          %get3A_224 = arith.index_cast %add3A_223 : i32 to index
          %get3A_225 = memref.load %arg5[%get3A_224] : memref<768xi32, #tpu.memory_space<smem>>
          %swap3A = arith.index_cast %get3A_225 : i32 to index
          %swap3A_226 = arith.constant 0 : index
          %swap3A_227 = vector.load %arg12[%swap3A, %swap3A_226] : memref<256x768xf32, #tpu.memory_space<vmem>>, vector<1x768xf32>
          tpu.vector_store %arg12[%swap3A, %swap3A_226], %slice3A {strides = array<i32>} : memref<256x768xf32, #tpu.memory_space<vmem>>, vector<1x768xf32>,
        } else {
        }
        %add3A_195 = arith.constant 5 : i32
        %add3A_196 = arith.addi %mul3A_67, %add3A_195 : i32
        %get3A_197 = arith.index_cast %add3A_196 : i32 to index
        %get3A_198 = memref.load %arg6[%get3A_197] : memref<768xi32, #tpu.memory_space<smem>>
        %eq3A_199 = arith.constant 1 : i32
        %eq3A_200 = arith.cmpi eq, %get3A_198, %eq3A_199 : i32
        %convert_element_type3A_201 = arith.extui %eq3A_200 : i1 to i32
        %cond3A_202 = arith.constant 0 : i32
        %cond3A_203 = arith.cmpi ne, %convert_element_type3A_201, %cond3A_202 : i32
        scf.if %cond3A_203 {
          %slice3A = vector.extract_strided_slice %add3A_150 {offsets = [5, 0], sizes = [1, 768], strides = [1, 1]} : vector<8x768xf32> to vector<1x768xf32>
          %add3A_222 = arith.constant 5 : i32
          %add3A_223 = arith.addi %mul3A_67, %add3A_222 : i32
          %get3A_224 = arith.index_cast %add3A_223 : i32 to index
          %get3A_225 = memref.load %arg5[%get3A_224] : memref<768xi32, #tpu.memory_space<smem>>
          %swap3A = arith.index_cast %get3A_225 : i32 to index
          %swap3A_226 = arith.constant 0 : index
          %swap3A_227 = vector.load %arg12[%swap3A, %swap3A_226] : memref<256x768xf32, #tpu.memory_space<vmem>>, vector<1x768xf32>
          tpu.vector_store %arg12[%swap3A, %swap3A_226], %slice3A {strides = array<i32>} : memref<256x768xf32, #tpu.memory_space<vmem>>, vector<1x768xf32>,
        } else {
        }
        %add3A_204 = arith.constant 6 : i32
        %add3A_205 = arith.addi %mul3A_67, %add3A_204 : i32
        %get3A_206 = arith.index_cast %add3A_205 : i32 to index
        %get3A_207 = memref.load %arg6[%get3A_206] : memref<768xi32, #tpu.memory_space<smem>>
        %eq3A_208 = arith.constant 1 : i32
        %eq3A_209 = arith.cmpi eq, %get3A_207, %eq3A_208 : i32
        %convert_element_type3A_210 = arith.extui %eq3A_209 : i1 to i32
        %cond3A_211 = arith.constant 0 : i32
        %cond3A_212 = arith.cmpi ne, %convert_element_type3A_210, %cond3A_211 : i32
        scf.if %cond3A_212 {
          %slice3A = vector.extract_strided_slice %add3A_150 {offsets = [6, 0], sizes = [1, 768], strides = [1, 1]} : vector<8x768xf32> to vector<1x768xf32>
          %add3A_222 = arith.constant 6 : i32
          %add3A_223 = arith.addi %mul3A_67, %add3A_222 : i32
          %get3A_224 = arith.index_cast %add3A_223 : i32 to index
          %get3A_225 = memref.load %arg5[%get3A_224] : memref<768xi32, #tpu.memory_space<smem>>
          %swap3A = arith.index_cast %get3A_225 : i32 to index
          %swap3A_226 = arith.constant 0 : index
          %swap3A_227 = vector.load %arg12[%swap3A, %swap3A_226] : memref<256x768xf32, #tpu.memory_space<vmem>>, vector<1x768xf32>
          tpu.vector_store %arg12[%swap3A, %swap3A_226], %slice3A {strides = array<i32>} : memref<256x768xf32, #tpu.memory_space<vmem>>, vector<1x768xf32>,
        } else {
        }
        %add3A_213 = arith.constant 7 : i32
        %add3A_214 = arith.addi %mul3A_67, %add3A_213 : i32
        %get3A_215 = arith.index_cast %add3A_214 : i32 to index
        %get3A_216 = memref.load %arg6[%get3A_215] : memref<768xi32, #tpu.memory_space<smem>>
        %eq3A_217 = arith.constant 1 : i32
        %eq3A_218 = arith.cmpi eq, %get3A_216, %eq3A_217 : i32
        %convert_element_type3A_219 = arith.extui %eq3A_218 : i1 to i32
        %cond3A_220 = arith.constant 0 : i32
        %cond3A_221 = arith.cmpi ne, %convert_element_type3A_219, %cond3A_220 : i32
        scf.if %cond3A_221 {
          %slice3A = vector.extract_strided_slice %add3A_150 {offsets = [7, 0], sizes = [1, 768], strides = [1, 1]} : vector<8x768xf32> to vector<1x768xf32>
          %add3A_222 = arith.constant 7 : i32
          %add3A_223 = arith.addi %mul3A_67, %add3A_222 : i32
          %get3A_224 = arith.index_cast %add3A_223 : i32 to index
          %get3A_225 = memref.load %arg5[%get3A_224] : memref<768xi32, #tpu.memory_space<smem>>
          %swap3A = arith.index_cast %get3A_225 : i32 to index
          %swap3A_226 = arith.constant 0 : index
          %swap3A_227 = vector.load %arg12[%swap3A, %swap3A_226] : memref<256x768xf32, #tpu.memory_space<vmem>>, vector<1x768xf32>
          tpu.vector_store %arg12[%swap3A, %swap3A_226], %slice3A {strides = array<i32>} : memref<256x768xf32, #tpu.memory_space<vmem>>, vector<1x768xf32>,
        } else {
        }
      }
      %while3A_60 = arith.constant 1 : i32
      scf.for %while3A_65 = %while3A_58 to %while3A_54 step %while3A_60  : i32 {
        %add3A_66 = arith.addi %get3A_48, %while3A_65 : i32
        %mul3A = arith.constant 8 : i32
        %mul3A_67 = arith.muli %add3A_66, %mul3A : i32
        %add3A_68 = arith.constant 0 : i32
        %add3A_69 = arith.addi %mul3A_67, %add3A_68 : i32
        %get3A_70 = arith.index_cast %add3A_69 : i32 to index
        %get3A_71 = memref.load %arg5[%get3A_70] : memref<768xi32, #tpu.memory_space<smem>>
        %get3A_72 = arith.index_cast %get3A_71 : i32 to index
        %get3A_73 = arith.constant 0 : index
        %get3A_74 = vector.load %arg7[%get3A_72, %get3A_73] : memref<256x768xf32, #tpu.memory_space<vmem>>, vector<1x768xf32>
        %add3A_75 = arith.constant 1 : i32
        %add3A_76 = arith.addi %mul3A_67, %add3A_75 : i32
        %get3A_77 = arith.index_cast %add3A_76 : i32 to index
        %get3A_78 = memref.load %arg5[%get3A_77] : memref<768xi32, #tpu.memory_space<smem>>
        %get3A_79 = arith.index_cast %get3A_78 : i32 to index
        %get3A_80 = arith.constant 0 : index
        %get3A_81 = vector.load %arg7[%get3A_79, %get3A_80] : memref<256x768xf32, #tpu.memory_space<vmem>>, vector<1x768xf32>
        %add3A_82 = arith.constant 2 : i32
        %add3A_83 = arith.addi %mul3A_67, %add3A_82 : i32
        %get3A_84 = arith.index_cast %add3A_83 : i32 to index
        %get3A_85 = memref.load %arg5[%get3A_84] : memref<768xi32, #tpu.memory_space<smem>>
        %get3A_86 = arith.index_cast %get3A_85 : i32 to index
        %get3A_87 = arith.constant 0 : index
        %get3A_88 = vector.load %arg7[%get3A_86, %get3A_87] : memref<256x768xf32, #tpu.memory_space<vmem>>, vector<1x768xf32>
        %add3A_89 = arith.constant 3 : i32
        %add3A_90 = arith.addi %mul3A_67, %add3A_89 : i32
        %get3A_91 = arith.index_cast %add3A_90 : i32 to index
        %get3A_92 = memref.load %arg5[%get3A_91] : memref<768xi32, #tpu.memory_space<smem>>
        %get3A_93 = arith.index_cast %get3A_92 : i32 to index
        %get3A_94 = arith.constant 0 : index
        %get3A_95 = vector.load %arg7[%get3A_93, %get3A_94] : memref<256x768xf32, #tpu.memory_space<vmem>>, vector<1x768xf32>
        %add3A_96 = arith.constant 4 : i32
        %add3A_97 = arith.addi %mul3A_67, %add3A_96 : i32
        %get3A_98 = arith.index_cast %add3A_97 : i32 to index
        %get3A_99 = memref.load %arg5[%get3A_98] : memref<768xi32, #tpu.memory_space<smem>>
        %get3A_100 = arith.index_cast %get3A_99 : i32 to index
        %get3A_101 = arith.constant 0 : index
        %get3A_102 = vector.load %arg7[%get3A_100, %get3A_101] : memref<256x768xf32, #tpu.memory_space<vmem>>, vector<1x768xf32>
        %add3A_103 = arith.constant 5 : i32
        %add3A_104 = arith.addi %mul3A_67, %add3A_103 : i32
        %get3A_105 = arith.index_cast %add3A_104 : i32 to index
        %get3A_106 = memref.load %arg5[%get3A_105] : memref<768xi32, #tpu.memory_space<smem>>
        %get3A_107 = arith.index_cast %get3A_106 : i32 to index
        %get3A_108 = arith.constant 0 : index
        %get3A_109 = vector.load %arg7[%get3A_107, %get3A_108] : memref<256x768xf32, #tpu.memory_space<vmem>>, vector<1x768xf32>
        %add3A_110 = arith.constant 6 : i32
        %add3A_111 = arith.addi %mul3A_67, %add3A_110 : i32
        %get3A_112 = arith.index_cast %add3A_111 : i32 to index
        %get3A_113 = memref.load %arg5[%get3A_112] : memref<768xi32, #tpu.memory_space<smem>>
        %get3A_114 = arith.index_cast %get3A_113 : i32 to index
        %get3A_115 = arith.constant 0 : index
        %get3A_116 = vector.load %arg7[%get3A_114, %get3A_115] : memref<256x768xf32, #tpu.memory_space<vmem>>, vector<1x768xf32>
        %add3A_117 = arith.constant 7 : i32
        %add3A_118 = arith.addi %mul3A_67, %add3A_117 : i32
        %get3A_119 = arith.index_cast %add3A_118 : i32 to index
        %get3A_120 = memref.load %arg5[%get3A_119] : memref<768xi32, #tpu.memory_space<smem>>
        %get3A_121 = arith.index_cast %get3A_120 : i32 to index
        %get3A_122 = arith.constant 0 : index
        %get3A_123 = vector.load %arg7[%get3A_121, %get3A_122] : memref<256x768xf32, #tpu.memory_space<vmem>>, vector<1x768xf32>
        %concatenate3A = tpu.concatenate %get3A_74, %get3A_81, %get3A_88, %get3A_95, %get3A_102, %get3A_109, %get3A_116, %get3A_123 in 0 : vector<1x768xf32>, vector<1x768xf32>, vector<1x768xf32>, vector<1x768xf32>, vector<1x768xf32>, vector<1x768xf32>, vector<1x768xf32>, vector<1x768xf32> -> vector<8x768xf32>
        %get3A_124 = arith.index_cast %rem3A_28 : i32 to index
        %get3A_125 = arith.constant 0 : index
        %get3A_126 = arith.constant 0 : index
        %get3A_127 = vector.load %arg13[%get3A_124, %get3A_125, %get3A_126] : memref<4x1536x768xf32, #tpu.memory_space<vmem>>, vector<1x768x768xf32>
        %get3A_128 = vector.shape_cast %get3A_127 : vector<1x768x768xf32> to vector<768x768xf32>
        %dot_general3A = arith.constant dense<0.000000e+00> : vector<8x768xf32>
        %dot_general3A_129 = tpu.matmul %concatenate3A, %get3A_128, %dot_general3A {dimension_numbers = #tpu.dot_dimension_numbers<[1], [0], [0], [1], [0, 0, 1, 1], [], []>, transpose_lhs_hint = false} : vector<8x768xf32>, vector<768x768xf32>, vector<8x768xf32> -> vector<8x768xf32>
        %add3A_130 = vector.broadcast %get3A_43 : vector<1x768xf32> to vector<8x768xf32>
        %add3A_131 = arith.addf %dot_general3A_129, %add3A_130 : vector<8x768xf32>
        %mul3A_132 = arith.constant 5.000000e-01 : f32
        %mul3A_133 = vector.broadcast %mul3A_132 : f32 to vector<8x768xf32>
        %mul3A_134 = arith.mulf %mul3A_133, %add3A_131 : vector<8x768xf32>
        %mul3A_135 = arith.constant 0.707106769 : f32
        %mul3A_136 = vector.broadcast %mul3A_135 : f32 to vector<8x768xf32>
        %mul3A_137 = arith.mulf %add3A_131, %mul3A_136 : vector<8x768xf32>
        %erf3A = math.erf %mul3A_137 : vector<8x768xf32>
        %add3A_138 = arith.constant 1.000000e+00 : f32
        %add3A_139 = vector.broadcast %add3A_138 : f32 to vector<8x768xf32>
        %add3A_140 = arith.addf %add3A_139, %erf3A : vector<8x768xf32>
        %mul3A_141 = arith.mulf %mul3A_134, %add3A_140 : vector<8x768xf32>
        %get3A_142 = arith.index_cast %rem3A_28 : i32 to index
        %get3A_143 = arith.constant 768 : index
        %get3A_144 = arith.constant 0 : index
        %get3A_145 = vector.load %arg13[%get3A_142, %get3A_143, %get3A_144] : memref<4x1536x768xf32, #tpu.memory_space<vmem>>, vector<1x768x768xf32>
        %get3A_146 = vector.shape_cast %get3A_145 : vector<1x768x768xf32> to vector<768x768xf32>
        %dot_general3A_147 = arith.constant dense<0.000000e+00> : vector<8x768xf32>
        %dot_general3A_148 = tpu.matmul %mul3A_141, %get3A_146, %dot_general3A_147 {dimension_numbers = #tpu.dot_dimension_numbers<[1], [0], [0], [1], [0, 0, 1, 1], [], []>, transpose_lhs_hint = false} : vector<8x768xf32>, vector<768x768xf32>, vector<8x768xf32> -> vector<8x768xf32>
        %add3A_149 = vector.broadcast %get3A_46 : vector<1x768xf32> to vector<8x768xf32>
        %add3A_150 = arith.addf %dot_general3A_148, %add3A_149 : vector<8x768xf32>
        %add3A_151 = arith.constant 0 : i32
        %add3A_152 = arith.addi %mul3A_67, %add3A_151 : i32
        %get3A_153 = arith.index_cast %add3A_152 : i32 to index
        %get3A_154 = memref.load %arg6[%get3A_153] : memref<768xi32, #tpu.memory_space<smem>>
        %eq3A = arith.constant 1 : i32
        %eq3A_155 = arith.cmpi eq, %get3A_154, %eq3A : i32
        %convert_element_type3A_156 = arith.extui %eq3A_155 : i1 to i32
        %cond3A_157 = arith.constant 0 : i32
        %cond3A_158 = arith.cmpi ne, %convert_element_type3A_156, %cond3A_157 : i32
        scf.if %cond3A_158 {
          %slice3A = vector.extract_strided_slice %add3A_150 {offsets = [0, 0], sizes = [1, 768], strides = [1, 1]} : vector<8x768xf32> to vector<1x768xf32>
          %add3A_222 = arith.constant 0 : i32
          %add3A_223 = arith.addi %mul3A_67, %add3A_222 : i32
          %get3A_224 = arith.index_cast %add3A_223 : i32 to index
          %get3A_225 = memref.load %arg5[%get3A_224] : memref<768xi32, #tpu.memory_space<smem>>
          %swap3A = arith.index_cast %get3A_225 : i32 to index
          %swap3A_226 = arith.constant 0 : index
          %swap3A_227 = vector.load %arg12[%swap3A, %swap3A_226] : memref<256x768xf32, #tpu.memory_space<vmem>>, vector<1x768xf32>
          tpu.vector_store %arg12[%swap3A, %swap3A_226], %slice3A {strides = array<i32>} : memref<256x768xf32, #tpu.memory_space<vmem>>, vector<1x768xf32>,
        } else {
        }
        %add3A_159 = arith.constant 1 : i32
        %add3A_160 = arith.addi %mul3A_67, %add3A_159 : i32
        %get3A_161 = arith.index_cast %add3A_160 : i32 to index
        %get3A_162 = memref.load %arg6[%get3A_161] : memref<768xi32, #tpu.memory_space<smem>>
        %eq3A_163 = arith.constant 1 : i32
        %eq3A_164 = arith.cmpi eq, %get3A_162, %eq3A_163 : i32
        %convert_element_type3A_165 = arith.extui %eq3A_164 : i1 to i32
        %cond3A_166 = arith.constant 0 : i32
        %cond3A_167 = arith.cmpi ne, %convert_element_type3A_165, %cond3A_166 : i32
        scf.if %cond3A_167 {
          %slice3A = vector.extract_strided_slice %add3A_150 {offsets = [1, 0], sizes = [1, 768], strides = [1, 1]} : vector<8x768xf32> to vector<1x768xf32>
          %add3A_222 = arith.constant 1 : i32
          %add3A_223 = arith.addi %mul3A_67, %add3A_222 : i32
          %get3A_224 = arith.index_cast %add3A_223 : i32 to index
          %get3A_225 = memref.load %arg5[%get3A_224] : memref<768xi32, #tpu.memory_space<smem>>
          %swap3A = arith.index_cast %get3A_225 : i32 to index
          %swap3A_226 = arith.constant 0 : index
          %swap3A_227 = vector.load %arg12[%swap3A, %swap3A_226] : memref<256x768xf32, #tpu.memory_space<vmem>>, vector<1x768xf32>
          tpu.vector_store %arg12[%swap3A, %swap3A_226], %slice3A {strides = array<i32>} : memref<256x768xf32, #tpu.memory_space<vmem>>, vector<1x768xf32>,
        } else {
        }
        %add3A_168 = arith.constant 2 : i32
        %add3A_169 = arith.addi %mul3A_67, %add3A_168 : i32
        %get3A_170 = arith.index_cast %add3A_169 : i32 to index
        %get3A_171 = memref.load %arg6[%get3A_170] : memref<768xi32, #tpu.memory_space<smem>>
        %eq3A_172 = arith.constant 1 : i32
        %eq3A_173 = arith.cmpi eq, %get3A_171, %eq3A_172 : i32
        %convert_element_type3A_174 = arith.extui %eq3A_173 : i1 to i32
        %cond3A_175 = arith.constant 0 : i32
        %cond3A_176 = arith.cmpi ne, %convert_element_type3A_174, %cond3A_175 : i32
        scf.if %cond3A_176 {
          %slice3A = vector.extract_strided_slice %add3A_150 {offsets = [2, 0], sizes = [1, 768], strides = [1, 1]} : vector<8x768xf32> to vector<1x768xf32>
          %add3A_222 = arith.constant 2 : i32
          %add3A_223 = arith.addi %mul3A_67, %add3A_222 : i32
          %get3A_224 = arith.index_cast %add3A_223 : i32 to index
          %get3A_225 = memref.load %arg5[%get3A_224] : memref<768xi32, #tpu.memory_space<smem>>
          %swap3A = arith.index_cast %get3A_225 : i32 to index
          %swap3A_226 = arith.constant 0 : index
          %swap3A_227 = vector.load %arg12[%swap3A, %swap3A_226] : memref<256x768xf32, #tpu.memory_space<vmem>>, vector<1x768xf32>
          tpu.vector_store %arg12[%swap3A, %swap3A_226], %slice3A {strides = array<i32>} : memref<256x768xf32, #tpu.memory_space<vmem>>, vector<1x768xf32>,
        } else {
        }
        %add3A_177 = arith.constant 3 : i32
        %add3A_178 = arith.addi %mul3A_67, %add3A_177 : i32
        %get3A_179 = arith.index_cast %add3A_178 : i32 to index
        %get3A_180 = memref.load %arg6[%get3A_179] : memref<768xi32, #tpu.memory_space<smem>>
        %eq3A_181 = arith.constant 1 : i32
        %eq3A_182 = arith.cmpi eq, %get3A_180, %eq3A_181 : i32
        %convert_element_type3A_183 = arith.extui %eq3A_182 : i1 to i32
        %cond3A_184 = arith.constant 0 : i32
        %cond3A_185 = arith.cmpi ne, %convert_element_type3A_183, %cond3A_184 : i32
        scf.if %cond3A_185 {
          %slice3A = vector.extract_strided_slice %add3A_150 {offsets = [3, 0], sizes = [1, 768], strides = [1, 1]} : vector<8x768xf32> to vector<1x768xf32>
          %add3A_222 = arith.constant 3 : i32
          %add3A_223 = arith.addi %mul3A_67, %add3A_222 : i32
          %get3A_224 = arith.index_cast %add3A_223 : i32 to index
          %get3A_225 = memref.load %arg5[%get3A_224] : memref<768xi32, #tpu.memory_space<smem>>
          %swap3A = arith.index_cast %get3A_225 : i32 to index
          %swap3A_226 = arith.constant 0 : index
          %swap3A_227 = vector.load %arg12[%swap3A, %swap3A_226] : memref<256x768xf32, #tpu.memory_space<vmem>>, vector<1x768xf32>
          tpu.vector_store %arg12[%swap3A, %swap3A_226], %slice3A {strides = array<i32>} : memref<256x768xf32, #tpu.memory_space<vmem>>, vector<1x768xf32>,
        } else {
        }
        %add3A_186 = arith.constant 4 : i32
        %add3A_187 = arith.addi %mul3A_67, %add3A_186 : i32
        %get3A_188 = arith.index_cast %add3A_187 : i32 to index
        %get3A_189 = memref.load %arg6[%get3A_188] : memref<768xi32, #tpu.memory_space<smem>>
        %eq3A_190 = arith.constant 1 : i32
        %eq3A_191 = arith.cmpi eq, %get3A_189, %eq3A_190 : i32
        %convert_element_type3A_192 = arith.extui %eq3A_191 : i1 to i32
        %cond3A_193 = arith.constant 0 : i32
        %cond3A_194 = arith.cmpi ne, %convert_element_type3A_192, %cond3A_193 : i32
        scf.if %cond3A_194 {
          %slice3A = vector.extract_strided_slice %add3A_150 {offsets = [4, 0], sizes = [1, 768], strides = [1, 1]} : vector<8x768xf32> to vector<1x768xf32>
          %add3A_222 = arith.constant 4 : i32
          %add3A_223 = arith.addi %mul3A_67, %add3A_222 : i32
          %get3A_224 = arith.index_cast %add3A_223 : i32 to index
          %get3A_225 = memref.load %arg5[%get3A_224] : memref<768xi32, #tpu.memory_space<smem>>
          %swap3A = arith.index_cast %get3A_225 : i32 to index
          %swap3A_226 = arith.constant 0 : index
          %swap3A_227 = vector.load %arg12[%swap3A, %swap3A_226] : memref<256x768xf32, #tpu.memory_space<vmem>>, vector<1x768xf32>
          tpu.vector_store %arg12[%swap3A, %swap3A_226], %slice3A {strides = array<i32>} : memref<256x768xf32, #tpu.memory_space<vmem>>, vector<1x768xf32>,
        } else {
        }
        %add3A_195 = arith.constant 5 : i32
        %add3A_196 = arith.addi %mul3A_67, %add3A_195 : i32
        %get3A_197 = arith.index_cast %add3A_196 : i32 to index
        %get3A_198 = memref.load %arg6[%get3A_197] : memref<768xi32, #tpu.memory_space<smem>>
        %eq3A_199 = arith.constant 1 : i32
        %eq3A_200 = arith.cmpi eq, %get3A_198, %eq3A_199 : i32
        %convert_element_type3A_201 = arith.extui %eq3A_200 : i1 to i32
        %cond3A_202 = arith.constant 0 : i32
        %cond3A_203 = arith.cmpi ne, %convert_element_type3A_201, %cond3A_202 : i32
        scf.if %cond3A_203 {
          %slice3A = vector.extract_strided_slice %add3A_150 {offsets = [5, 0], sizes = [1, 768], strides = [1, 1]} : vector<8x768xf32> to vector<1x768xf32>
          %add3A_222 = arith.constant 5 : i32
          %add3A_223 = arith.addi %mul3A_67, %add3A_222 : i32
          %get3A_224 = arith.index_cast %add3A_223 : i32 to index
          %get3A_225 = memref.load %arg5[%get3A_224] : memref<768xi32, #tpu.memory_space<smem>>
          %swap3A = arith.index_cast %get3A_225 : i32 to index
          %swap3A_226 = arith.constant 0 : index
          %swap3A_227 = vector.load %arg12[%swap3A, %swap3A_226] : memref<256x768xf32, #tpu.memory_space<vmem>>, vector<1x768xf32>
          tpu.vector_store %arg12[%swap3A, %swap3A_226], %slice3A {strides = array<i32>} : memref<256x768xf32, #tpu.memory_space<vmem>>, vector<1x768xf32>,
        } else {
        }
        %add3A_204 = arith.constant 6 : i32
        %add3A_205 = arith.addi %mul3A_67, %add3A_204 : i32
        %get3A_206 = arith.index_cast %add3A_205 : i32 to index
        %get3A_207 = memref.load %arg6[%get3A_206] : memref<768xi32, #tpu.memory_space<smem>>
        %eq3A_208 = arith.constant 1 : i32
        %eq3A_209 = arith.cmpi eq, %get3A_207, %eq3A_208 : i32
        %convert_element_type3A_210 = arith.extui %eq3A_209 : i1 to i32
        %cond3A_211 = arith.constant 0 : i32
        %cond3A_212 = arith.cmpi ne, %convert_element_type3A_210, %cond3A_211 : i32
        scf.if %cond3A_212 {
          %slice3A = vector.extract_strided_slice %add3A_150 {offsets = [6, 0], sizes = [1, 768], strides = [1, 1]} : vector<8x768xf32> to vector<1x768xf32>
          %add3A_222 = arith.constant 6 : i32
          %add3A_223 = arith.addi %mul3A_67, %add3A_222 : i32
          %get3A_224 = arith.index_cast %add3A_223 : i32 to index
          %get3A_225 = memref.load %arg5[%get3A_224] : memref<768xi32, #tpu.memory_space<smem>>
          %swap3A = arith.index_cast %get3A_225 : i32 to index
          %swap3A_226 = arith.constant 0 : index
          %swap3A_227 = vector.load %arg12[%swap3A, %swap3A_226] : memref<256x768xf32, #tpu.memory_space<vmem>>, vector<1x768xf32>
          tpu.vector_store %arg12[%swap3A, %swap3A_226], %slice3A {strides = array<i32>} : memref<256x768xf32, #tpu.memory_space<vmem>>, vector<1x768xf32>,
        } else {
        }
        %add3A_213 = arith.constant 7 : i32
        %add3A_214 = arith.addi %mul3A_67, %add3A_213 : i32
        %get3A_215 = arith.index_cast %add3A_214 : i32 to index
        %get3A_216 = memref.load %arg6[%get3A_215] : memref<768xi32, #tpu.memory_space<smem>>
        %eq3A_217 = arith.constant 1 : i32
        %eq3A_218 = arith.cmpi eq, %get3A_216, %eq3A_217 : i32
        %convert_element_type3A_219 = arith.extui %eq3A_218 : i1 to i32
        %cond3A_220 = arith.constant 0 : i32
        %cond3A_221 = arith.cmpi ne, %convert_element_type3A_219, %cond3A_220 : i32
        scf.if %cond3A_221 {
          %slice3A = vector.extract_strided_slice %add3A_150 {offsets = [7, 0], sizes = [1, 768], strides = [1, 1]} : vector<8x768xf32> to vector<1x768xf32>
          %add3A_222 = arith.constant 7 : i32
          %add3A_223 = arith.addi %mul3A_67, %add3A_222 : i32
          %get3A_224 = arith.index_cast %add3A_223 : i32 to index
          %get3A_225 = memref.load %arg5[%get3A_224] : memref<768xi32, #tpu.memory_space<smem>>
          %swap3A = arith.index_cast %get3A_225 : i32 to index
          %swap3A_226 = arith.constant 0 : index
          %swap3A_227 = vector.load %arg12[%swap3A, %swap3A_226] : memref<256x768xf32, #tpu.memory_space<vmem>>, vector<1x768xf32>
          tpu.vector_store %arg12[%swap3A, %swap3A_226], %slice3A {strides = array<i32>} : memref<256x768xf32, #tpu.memory_space<vmem>>, vector<1x768xf32>,
        } else {
        }
      }
      %add3A = arith.constant 4 : i32
      %add3A_61 = arith.addi %while3A_27, %add3A : i32
      %lt3A = arith.cmpi slt, %add3A_61, %get3A_0 : i32
      %convert_element_type3A_62 = arith.extui %lt3A : i1 to i32
      %cond3A_63 = arith.constant 0 : i32
      %cond3A_64 = arith.cmpi ne, %convert_element_type3A_62, %cond3A_63 : i32
      scf.if %cond3A_64 {
        %add3A_65 = arith.constant 4 : i32
        %add3A_66 = arith.addi %while3A_27, %add3A_65 : i32
        %get3A_67 = arith.index_cast %add3A_66 : i32 to index
        %get3A_68 = memref.load %arg2[%get3A_67] : memref<64xi32, #tpu.memory_space<smem>>
        %rem3A_69 = arith.constant 4 : i32
        %rem3A_70 = arith.remsi %add3A_66, %rem3A_69 : i32
        %dma_start3A = tpu.memref_slice %arg14[%rem3A_70] : memref<4x!tpu.dma_semaphore, #tpu.memory_space<semaphore_mem>> -> memref<1x!tpu.dma_semaphore, #tpu.memory_space<semaphore_mem>>
        %dma_start3A_71 = tpu.memref_squeeze %dma_start3A : memref<1x!tpu.dma_semaphore, #tpu.memory_space<semaphore_mem>> -> memref<!tpu.dma_semaphore, #tpu.memory_space<semaphore_mem>>
        %dma_start3A_72 = arith.constant 0 : i32
        %dma_start3A_73 = arith.constant 0 : i32
        %dma_start3A_74 = tpu.memref_slice %arg13[%rem3A_70, %dma_start3A_72, %dma_start3A_73] : memref<4x1536x768xf32, #tpu.memory_space<vmem>> -> memref<1x768x768xf32, #tpu.memory_space<vmem>>
        %dma_start3A_75 = tpu.memref_squeeze %dma_start3A_74 : memref<1x768x768xf32, #tpu.memory_space<vmem>> -> memref<768x768xf32, #tpu.memory_space<vmem>>
        %dma_start3A_76 = arith.constant 0 : i32
        %dma_start3A_77 = arith.constant 0 : i32
        %dma_start3A_78 = tpu.memref_slice %arg8[%get3A_68, %dma_start3A_76, %dma_start3A_77] : memref<64x768x768xf32, #tpu.memory_space<any>> -> memref<1x768x768xf32, #tpu.memory_space<any>>
        %dma_start3A_79 = tpu.memref_squeeze %dma_start3A_78 : memref<1x768x768xf32, #tpu.memory_space<any>> -> memref<768x768xf32, #tpu.memory_space<any>>
        tpu.enqueue_dma source(%dma_start3A_79 : memref<768x768xf32, #tpu.memory_space<any>>) target(%dma_start3A_75 : memref<768x768xf32, #tpu.memory_space<vmem>>) target_semaphore(%dma_start3A_71 : memref<!tpu.dma_semaphore, #tpu.memory_space<semaphore_mem>>)
        %dma_start3A_80 = tpu.memref_slice %arg14[%rem3A_70] : memref<4x!tpu.dma_semaphore, #tpu.memory_space<semaphore_mem>> -> memref<1x!tpu.dma_semaphore, #tpu.memory_space<semaphore_mem>>
        %dma_start3A_81 = tpu.memref_squeeze %dma_start3A_80 : memref<1x!tpu.dma_semaphore, #tpu.memory_space<semaphore_mem>> -> memref<!tpu.dma_semaphore, #tpu.memory_space<semaphore_mem>>
        %dma_start3A_82 = arith.constant 768 : i32
        %dma_start3A_83 = arith.constant 0 : i32
        %dma_start3A_84 = tpu.memref_slice %arg13[%rem3A_70, %dma_start3A_82, %dma_start3A_83] : memref<4x1536x768xf32, #tpu.memory_space<vmem>> -> memref<1x768x768xf32, #tpu.memory_space<vmem>>
        %dma_start3A_85 = tpu.memref_squeeze %dma_start3A_84 : memref<1x768x768xf32, #tpu.memory_space<vmem>> -> memref<768x768xf32, #tpu.memory_space<vmem>>
        %dma_start3A_86 = arith.constant 0 : i32
        %dma_start3A_87 = arith.constant 0 : i32
        %dma_start3A_88 = tpu.memref_slice %arg9[%get3A_68, %dma_start3A_86, %dma_start3A_87] : memref<64x768x768xf32, #tpu.memory_space<any>> -> memref<1x768x768xf32, #tpu.memory_space<any>>
        %dma_start3A_89 = tpu.memref_squeeze %dma_start3A_88 : memref<1x768x768xf32, #tpu.memory_space<any>> -> memref<768x768xf32, #tpu.memory_space<any>>
        tpu.enqueue_dma source(%dma_start3A_89 : memref<768x768xf32, #tpu.memory_space<any>>) target(%dma_start3A_85 : memref<768x768xf32, #tpu.memory_space<vmem>>) target_semaphore(%dma_start3A_81 : memref<!tpu.dma_semaphore, #tpu.memory_space<semaphore_mem>>)
      } else {
      }
    }
    return
  }
  func.func @transform_0(%arg0: i32, %arg1: memref<1xi32, #tpu.memory_space<smem>>, %arg2: memref<64xi32, #tpu.memory_space<smem>>, %arg3: memref<64xi32, #tpu.memory_space<smem>>, %arg4: memref<64xi32, #tpu.memory_space<smem>>, %arg5: memref<768xi32, #tpu.memory_space<smem>>, %arg6: memref<768xi32, #tpu.memory_space<smem>>) -> (i32, i32) {
    %c0_i32 = arith.constant 0 : i32
    %c0_i32_0 = arith.constant 0 : i32
    %c0_i32_1 = arith.constant 0 : i32
    return %c0_i32, %c0_i32_0 : i32, i32
  }
  func.func @transform_3(%arg0: i32, %arg1: memref<1xi32, #tpu.memory_space<smem>>, %arg2: memref<64xi32, #tpu.memory_space<smem>>, %arg3: memref<64xi32, #tpu.memory_space<smem>>, %arg4: memref<64xi32, #tpu.memory_space<smem>>, %arg5: memref<768xi32, #tpu.memory_space<smem>>, %arg6: memref<768xi32, #tpu.memory_space<smem>>) -> (i32, i32) {
    %c0_i32 = arith.constant 0 : i32
    %c0_i32_0 = arith.constant 0 : i32
    %c0_i32_1 = arith.constant 0 : i32
    return %c0_i32, %c0_i32_0 : i32, i32
  }
  func.func @transform_4(%arg0: i32, %arg1: memref<1xi32, #tpu.memory_space<smem>>, %arg2: memref<64xi32, #tpu.memory_space<smem>>, %arg3: memref<64xi32, #tpu.memory_space<smem>>, %arg4: memref<64xi32, #tpu.memory_space<smem>>, %arg5: memref<768xi32, #tpu.memory_space<smem>>, %arg6: memref<768xi32, #tpu.memory_space<smem>>) -> (i32, i32) {
    %c0_i32 = arith.constant 0 : i32
    %c0_i32_0 = arith.constant 0 : i32
    %c0_i32_1 = arith.constant 0 : i32
    return %c0_i32, %c0_i32_0 : i32, i32
  }
  func.func @transform_5(%arg0: i32, %arg1: memref<1xi32, #tpu.memory_space<smem>>, %arg2: memref<64xi32, #tpu.memory_space<smem>>, %arg3: memref<64xi32, #tpu.memory_space<smem>>, %arg4: memref<64xi32, #tpu.memory_space<smem>>, %arg5: memref<768xi32, #tpu.memory_space<smem>>, %arg6: memref<768xi32, #tpu.memory_space<smem>>) -> (i32, i32) {
    %c0_i32 = arith.constant 0 : i32
    %c0_i32_0 = arith.constant 0 : i32
    %c0_i32_1 = arith.constant 0 : i32
    return %c0_i32, %c0_i32_0 : i32, i32
  }
}

</mosaic_0001>

<sc_bundles>
// kernel: scatter_offload_async_start
scs
__scs_entry_jumppad:
0x0: {  	(pc) =	sbr.rel $0x88, $3  }
0x1: {  	(tag) =	ssettag $0x0;
	lr =	simm.s32 $0x1  }
0x2: {  	[smem:$0x3F9B] =	sst lr;
	_ =	strace $0xD0000000  }
0x3: {  	_ = 	snop  }
0x4: {  	_ = 	snop  }
0x5: {  	_ = 	snop  }
0x6: {  	_ = 	snop  }
0x7: {  	_ = 	snop  }
__scs_overlays_trampoline_lowered:
0x8: {  	[smem:$0x3FAA] =	sst s0  }
0x9: {  	[smem:$0x3FAB] =	sst s1  }
0xa: {  	[smem:$0x3FAC] =	sst s2  }
0xb: {  	[smem:$0x3FAD] =	sst s3  }
0xc: {  	[smem:$0x3FAE] =	sst s4  }
0xd: {  	[smem:$0x3FAF] =	sst s5  }
0xe: {  	[smem:$0x3FB0] =	sst s6  }
0xf: {  	[smem:$0x3FB1] =	sst s7  }
0x10: {  	[smem:$0x3FB2] =	sst s8  }
0x11: {  	[smem:$0x3FB3] =	sst s9;
	s0 =	simm.s32 @!p0 $0x0  }
0x12: {  	s1 =	sld [smem:$0x3F99];
	s0 =	simm.s32 @p0 $0x1  }
0x13: {  	[smem:$0x3FB4] =	sst s0;
	s0 =	simm.s32 @!p1 $0x0  }
0x14: {  	s2 =	sld [smem:$0x3F98];
	s0 =	simm.s32 @p1 $0x1  }
0x15: {  	[smem:$0x3FB5] =	sst s0;
	s0 =	simm.s32 @!p2 $0x0  }
0x16: {  	s3 =	sld [smem:$0x3FDB];
	s0 =	simm.s32 @p2 $0x1  }
0x17: {  	s4 =	simm.s32 $0x1BF5;
	[smem:$0x3FB7] =	sst s0  }
0x18: {  	s0 =	sld [smem:$0x3F9A];
	_ =	swait.ge [sflag:s4], $0x0  }
0x19: {  	s7 =	sld [smem:$0x3F9B]  }
0x1a: {  	s8 =	sadd.s32 $0xFFFFE003, lr  }
0x1b: {  	s9 =	sadd.s32 $0xFFFFFEF7, lr;
	s5 =	simm.s32 $0xFFFFFFFF;
	p2 =	slt.u32 s8, $0xFFFFF086  }
0x1c: {  	p1 =	slt.u32 s9, $0xF7A;
	s5 =	simm.s32 @!p2 $0x0  }
0x1d: {  	s5 =	simm.s32 @p1 $0x1;
	p0 =	seq.s32 s7, s2  }
0x1e: {  	s7 =	smul.u32 @!p0 $0xF7A, s2;
	p2 =	seq.s32 @!p0 s5, $0x0  }
0x1f: {  	s9 =	smul.u32 $0xF7A, s1;
	s8 =	simm.s32 @!p0 $0x1BF5;
	p2 =	por !p2, p0  }
0x20: {  	[sflag:s8] =	ssyncset.s32 @!p0 $0xFFFFF086;
	s6 =	sadd.s32 @!p0 s3, s7;
	s7 =	simm.s32 @!p0 $0x108  }
0x21: {  	s3 =	sadd.s32 s3, s9;
	s6 =	sadd.s32 @!p0 $0x88, s6;
	s7 =	simm.s32 @p2 $0x1082  }
0x22: {  	[simem:s7], [sflag:s8] =	dma.local @!p0 [hbm:s6], $0xF7A  }
0x23: {  	s9 =	sor.u32 $0xD0000000, s2;
	s6 =	simm.s32 $0x108;
	_ =	swait.ge @!p0 [sflag:s8], $0x0  }
0x24: {  	s3 =	sadd.s32 $0x88, s3;
	s6 =	simm.s32 @!p1 $0x1082;
	[sflag:s4] =	ssyncset.s32 $0xFFFFF086  }
0x25: {  	[simem:s6], [sflag:s4] =	dma.local [hbm:s3], $0xF7A  }
0x26: {  	[smem:$0x3F9B] =	sst s1;
	(tag) =	ssettag s2;
	_ =	strace s9  }
0x27: {  	s1 =	sld [smem:$0x3FAB]  }
0x28: {  	s2 =	sld [smem:$0x3FAC]  }
0x29: {  	s4 =	sld [smem:$0x3FAE]  }
0x2a: {  	p0 =	seq.s32 s5, $0x0;
	s5 =	sld [smem:$0x3FAF]  }
0x2b: {  	s6 =	sld [smem:$0x3FB0]  }
0x2c: {  	s7 =	sld [smem:$0x3FB1]  }
0x2d: {  	s3 =	simm.s32 $0x108;
	s8 =	sld [smem:$0x3FB2]  }
0x2e: {  	s3 =	simm.s32 @!p0 $0x1082;
	s9 =	sld [smem:$0x3FB3]  }
0x2f: {  	lr =	sadd.s32 s0, s3;
	s0 =	sld [smem:$0x3FAA]  }
0x30: {  	s3 =	sld [smem:$0x3FAD]  }
0x31: {  	[smem:$0x3FB6] =	sst s10  }
0x32: {  	s10 =	sld [smem:$0x3FB4];
	_ =	sdelay $0x3  }
0x33: {  	p0 =	seq.s32 s10, $0x1;
	s10 =	sld [smem:$0x3FB6];
	_ =	sdelay $0x3  }
0x34: {  	[smem:$0x3FB6] =	sst s10  }
0x35: {  	s10 =	sld [smem:$0x3FB5];
	_ =	sdelay $0x3  }
0x36: {  	p1 =	seq.s32 s10, $0x1;
	s10 =	sld [smem:$0x3FB6];
	_ =	sdelay $0x3  }
0x37: {  	[smem:$0x3FB6] =	sst s10  }
0x38: {  	s10 =	sld [smem:$0x3FB7]  }
0x39: {  	_ = 	snop;
	(pc) =	sbr.ind lr, $3  }
0x3a: {  	_ = 	snop  }
0x3b: {  	_ = 	snop  }
0x3c: {  	p2 =	seq.s32 s10, $0x1;
	s10 =	sld [smem:$0x3FB6]  }
0x3d: {  	_ =	shalt  }
0x3e: {  	_ =	shalt  }
0x3f: {  	_ =	shalt  }
0x40: {  	_ =	shalt  }
0x41: {  	_ =	shalt  }
0x42: {  	_ =	shalt  }
0x43: {  	_ =	shalt  }
0x44: {  	_ =	shalt  }
0x45: {  	_ =	shalt  }
0x46: {  	_ =	shalt  }
0x47: {  	_ =	shalt  }
0x48: {  	_ =	shalt  }
0x49: {  	_ =	shalt  }
0x4a: {  	_ =	shalt  }
0x4b: {  	_ =	shalt  }
0x4c: {  	_ =	shalt  }
0x4d: {  	_ =	shalt  }
0x4e: {  	_ =	shalt  }
0x4f: {  	_ =	shalt  }
0x50: {  	_ =	shalt  }
0x51: {  	_ =	shalt  }
0x52: {  	_ =	shalt  }
0x53: {  	_ =	shalt  }
0x54: {  	_ =	shalt  }
0x55: {  	_ =	shalt  }
0x56: {  	_ =	shalt  }
0x57: {  	_ =	shalt  }
0x58: {  	_ =	shalt  }
0x59: {  	_ =	shalt  }
0x5a: {  	_ =	shalt  }
0x5b: {  	_ =	shalt  }
0x5c: {  	_ =	shalt  }
0x5d: {  	_ =	shalt  }
0x5e: {  	_ =	shalt  }
0x5f: {  	_ =	shalt  }
0x60: {  	_ =	shalt  }
0x61: {  	_ =	shalt  }
0x62: {  	_ =	shalt  }
0x63: {  	_ =	shalt  }
0x64: {  	_ =	shalt  }
0x65: {  	_ =	shalt  }
0x66: {  	_ =	shalt  }
0x67: {  	_ =	shalt  }
0x68: {  	_ =	shalt  }
0x69: {  	_ =	shalt  }
0x6a: {  	_ =	shalt  }
0x6b: {  	_ =	shalt  }
0x6c: {  	_ =	shalt  }
0x6d: {  	_ =	shalt  }
0x6e: {  	_ =	shalt  }
0x6f: {  	_ =	shalt  }
0x70: {  	_ =	shalt  }
0x71: {  	_ =	shalt  }
0x72: {  	_ =	shalt  }
0x73: {  	_ =	shalt  }
0x74: {  	_ =	shalt  }
0x75: {  	_ =	shalt  }
0x76: {  	_ =	shalt  }
0x77: {  	_ =	shalt  }
0x78: {  	_ =	shalt  }
0x79: {  	_ =	shalt  }
0x7a: {  	_ =	shalt  }
0x7b: {  	_ =	shalt  }
0x7c: {  	_ =	shalt  }
0x7d: {  	_ =	shalt  }
0x7e: {  	_ =	shalt  }
0x7f: {  	_ =	shalt  }
0x80: {  	_ =	shalt  }
0x81: {  	_ =	shalt  }
0x82: {  	_ =	shalt  }
0x83: {  	_ =	shalt  }
0x84: {  	_ =	shalt  }
0x85: {  	_ =	shalt  }
0x86: {  	_ =	shalt  }
0x87: {  	_ =	shalt  }
.Lfunc_end0:
.L_simem_size_0:
called_computation_lowered:
.L_overlay_start_0:
0x88: {  	s0 =	sld [smem:$0x3FD9]  }
0x89: {  	s1 =	sld [smem:$0x3FFE];
	_ =	sdelay $0x3  }
0x8a: {  	s0 =	sadd.s32 s1, s0  }
0x8b: {  	[smem:$0x3FC2] =	sst s0  }
0x8c: {  	_ = 	snop  }
0x8d: {  	s0 =	sld [smem:$0x3FD0];
	(tm) =	ssettm $0x1  }
0x8e: {  	s16 =	sld [smem:$0x3FFB];
	_ =	sdelay $0x3  }
0x8f: {  	_ =	strace s16  }
0x90: {  	s1 =	sld [smem:$0x3FFC];
	_ =	sdelay $0x3  }
0x91: {  	_ =	strace s1  }
0x92: {  	s1 =	sld [smem:$0x3FFD];
	_ =	sdelay $0x3  }
0x93: {  	_ =	strace s1  }
0x94: {  	_ =	strace $0x8FFFFFFF  }
0x95: {  	s17 =	sld [smem:$0x3FDB];
	_ =	sdelay $0x1  }
0x96: {  	s2 =	simm.s32 $_scs_section_size  }
0x97: {  	s3 =	simm.s32 $_size__tile_overlayer_lowered;
	s4 =	simm.s32 $_tile_overlayer_lowered  }
0x98: {  	s20 =	simm.s32 $0x1BFF;
	s19 =	sshll.u32 s4, $0x1;
	s1 =	sadd.s32 s2, s17  }
0x99: {  	s5 =	simm.s32 $0x0;
	s18 =	sshll.u32 s3, $0x1;
	s3 =	sadd.s32 s19, s1  }
0x9a: {  	[timem:s5], [sflag:s20] =	dma.local [hbm:s3], s18  }
0x9b: {  	_ =	swait.ge [sflag:s20], s18  }
0x9c: {  	s2 =	ssub.s32 $0x0, s18;
	[sflag:s20] =	ssyncset.done $0x0  }
0x9d: {  	[sflag:s20] =	ssyncadd.s32 s2;
	_ =	sdelay $0x1  }
0x9e: {  	s21 =	simm.s32 $0x1B8B  }
0x9f: {  	_ =	swait.ge [sflag:s21], $0x1  }
0xa0: {  	[sflag:s21] =	ssyncset.done $0x0  }
0xa1: {  	s23 =	simm.s32 $0x1B8E;
	s22 =	sld [smem:$0x3FFE];
	[sflag:s21] =	ssyncadd.s32 $0xFFFFFFFF  }
0xa2: {  	s24 =	simm.s32 $execute0_lowered;
	[smem:$0x3FD2] =	sst s23  }
0xa3: {  	s3 =	sshll.u32 s24, $0x1;
	_ =	strace $0x80000046;
	[dreg:$0x1] =	wrdreg $0xFFFFFFFF  }
0xa4: {  	s25 =	simm.s32 $_size_execute0_lowered;
	s1 =	sadd.s32 s1, s3;
	[dreg:$0x0] =	wrdreg $0x0  }
0xa5: {  	s3 =	sshll.u32 s25, $0x1;
	[dreg:$0x2] =	wrdreg s1  }
0xa6: {  	[dreg:$0x3] =	wrdreg s3  }
0xa7: {  	[dreg:$0x4] =	wrdreg $0xC0  }
0xa8: {  	_ =	task [dreg:s5], $0x5FFFF  }
0xa9: {  	[dreg:$0x1] =	wrdreg $0xFFFFFFFF  }
0xaa: {  	[dreg:$0x0] =	wrdreg $0x60  }
0xab: {  	[dreg:$0x2] =	wrdreg s22  }
0xac: {  	[dreg:$0x3] =	wrdreg s0  }
0xad: {  	[dreg:$0x4] =	wrdreg $0x9  }
0xae: {  	_ =	task.clear_ibuf [dreg:s5], $0x5FFFF;
	_ =	strace $0x90000046  }
0xaf: {  	s26 =	simm.s32 $0x9;
	_ =	strace $0x80000048  }
0xb0: {  	_ =	swait.ge [sflag:s26], $0x1  }
0xb1: {  	[sflag:s26] =	ssyncadd.s32 $0xFFFFFFFF  }
0xb2: {  	_ =	strace $0x90000048  }
0xb3: {  	_ =	sfence  }
0xb4: {  	s28 =	sld [smem:$0x0];
	_ =	sdelay $0x1  }
0xb5: {  	s29 =	srdreg.scid  }
0xb6: {  	s30 =	sshll.u32 s29, $0xD;
	s31 =	sshrl.u32 s29, $0x2  }
0xb7: {  	s2 =	sand.u32 $0x4000, s30;
	s1 =	sand.u32 $0x1, s29;
	s0 =	sadd.s32 s31, s28  }
0xb8: {  	s1 =	sor.u32 s2, s1;
	s0 =	sshll.u32 s0, $0x11  }
0xb9: {  	s0 =	sor.u32 s0, s1  }
0xba: {  	s0 =	sadd.s32 $0x8F2B, s0  }
0xbb: {  	[sflag:s0] =	ssyncadd.remote.s32 $0x1  }
0xbc: {  	_ =	sfence.sel $0xFFFF  }
0xbd: {  	[dreg:$0x0] =	wrdreg $0xFFFFFFFF;
	(pc) =	sbr.abs _section_cstart, $3  }
0xbe: {  	[dreg:$0x1] =	wrdreg $0xFFFFFFFF  }
0xbf: {  	_ =	task.clear_ibuf [dreg:s5], $0x2FFFF;
	_ =	strace $0x9FFFFFFF  }
0xc0: {  	(tm) =	ssettm $0x7FFFFFFF  }
0xc1: {  	_ =	shalt  }
tec
execute0_lowered:
.L_overlay_start_1:
0x0: {  	(tag) =	ssettag $0x1  }
0x1: {  	s0 =	rddreg [dreg:$0x0]  }
0x2: {  	s1 =	rddreg [dreg:$0x1]  }
0x3: {  	s2 =	rddreg [dreg:$0x2];
	s3 =	stileid.u32  }
0x4: {  	_ =	strace $0x80000047;
	s4 =	simm.s32 $0x3E;
	p0 =	sne.s32 s3, $0x0  }
0x5: {  	[sflag:s4] =	ssyncpa.u1 $0x0;
	s5 =	simm.s32 @!p0 $0x1C3E;
	s6 =	simm.s32 @!p0 $0x0  }
0x6: {  	[spmem:s6], [sflag:s5] =	dma.local @!p0 [hbm:s0], $0x10  }
0x7: {  	s5 =	simm.s32 @!p0 $0x3E  }
0x8: {  	_ =	swait.ge @!p0 [sflag:s5], $0x10  }
0x9: {  	[sflag:s5] =	ssyncset.done @!p0 $0x0  }
0xa: {  	[sflag:s5] =	ssyncadd.s32 @!p0 $0xFFFFFFF0  }
0xb: {  	s26 =	simm.s32 $0x1;
	s28 =	simm.s32 $0x2;
	[bflag:$0x0] =	sbarrier.arrive $0xFFFF  }
0xc: {  	s8 =	simm.s32 $0x0;
	s9 =	simm.s32 $0x18;
	[sflag:s4] =	ssyncpa.u1 $0x1  }
0xd: {  	s7 =	sadd.s32 $0x200, s0;
	s3 =	sshll.u32 s3, $0x1;
	[sflag:s26] =	ssyncpa.u1 $0x0  }
0xe: {  	s1 =	sadd.s32 s1, s3;
	(ifvalue) =	ssetifvalue $0x80;
	[sflag:s28] =	ssyncpa.u1 $0x0  }
0xf: {  	[tilespmem:s9], [sflag:$0x2] =	stream.linear.gather [hbm4b:s1+s8], $0x10, $0x38;
	[tilespmem:$0x48] =	vst v63  }
0x10: {  	s30 =	simm.s32 $0x38;
	s29 =	sadd.s32 s7, s3  }
0x11: {  	[tilespmem:s30], [sflag:$0x2] =	stream.linear.gather [hbm4b:s29+s8], $0x10, $0x38;
	[tilespmem:$0x48] =	vst v63  }
0x12: {  	_ =	swait.ge [sflag:s28], $0x20  }
0x13: {  	[sflag:s28] =	ssyncset.done $0x0  }
0x14: {  	[sflag:s28] =	ssyncadd.s32 $0xFFFFFFE0  }
0x15: {  	v0 =	vld.msk [tilespmem:s9+$0x0 ss:$0x1], $0xffff;
	_ =	sdelay $0x4  }
0x16: {  	v0 =	vmin.u32 v0, $0x80;
	_ =	sdelay $0x3  }
0x17: {  	vm0 =	vmmov $0xffff  }
0x18: {  	[spmem:s8] =	stream.indirect_vreg.scatter.add.s32 [tilespmem:s30], [sflag:$0x1], $0x1, v0, vm0, $0x4038;
	[tilespmem:$0x48] =	vst v63  }
0x19: {  	_ =	swait.ge [sflag:s26], $0x10  }
0x1a: {  	[sflag:s26] =	ssyncset.done $0x0  }
0x1b: {  	[sflag:s26] =	ssyncadd.s32 $0xFFFFFFF0  }
0x1c: {  	_ =	sfence.sel $0x180000  }
0x1d: {  	[bflag:$0x0] =	sbarrier.arrive $0xFFFF  }
0x1e: {  	[sflag:s28] =	ssyncpa.u1 $0x1  }
0x1f: {  	[sflag:s26] =	ssyncpa.u1 $0x1  }
0x20: {  	_ =	sfence.stream.spmem  }
0x21: {  	s31 =	simm.s32 $0x3D;
	[bflag:$0x0] =	sbarrier.arrive $0xFFFF  }
0x22: {  	s1 =	simm.s32 @p0 $0x3D;
	[sflag:s31] =	ssyncpa.u1 $0x0  }
0x23: {  	[sflag:s1] =	ssyncpa.u1 @p0 $0x1  }
0x24: {  	[bflag:$0x0] =	sbarrier.arrive @p0 $0xFFFF  }
0x25: {  	_ =	strace @p0 $0x90000047  }
0x26: {  	s1 =	simm.s32 @!p0 $0x1C3D;
	[bflag:$0x2] =	sbarrier.arrive @p0 $0xFFFF  }
0x27: {  	[hbm:s0], [sflag:s1] =	dma.local @!p0 [spmem:s6], $0x10  }
0x28: {  	s0 =	simm.s32 @!p0 $0x3D  }
0x29: {  	_ =	swait.ge @!p0 [sflag:s0], $0x10  }
0x2a: {  	[sflag:s0] =	ssyncset.done @!p0 $0x0  }
0x2b: {  	[sflag:s0] =	ssyncadd.s32 @!p0 $0xFFFFFFF0  }
0x2c: {  	[sflag:s0] =	ssyncpa.u1 @!p0 $0x1  }
0x2d: {  	[bflag:$0x0] =	sbarrier.arrive @!p0 $0xFFFF  }
0x2e: {  	_ =	strace @!p0 $0x90000047  }
0x2f: {  	s0 =	sadd.s32 @!p0 $0x100000, s2;
	[bflag:$0x2] =	sbarrier.arrive @!p0 $0xFFFF  }
0x30: {  	[sflag:s0] =	ssyncadd.tile.s32 @!p0 $0x1;
	_ =	shalt  }
.Lfunc_end2:
_tile_overlayer_lowered:
.L_overlay_start_2:
0x31: {  	(tag) =	ssettag $0x2  }
0x32: {  	s0 =	rddreg [dreg:$0x0];
	s2 =	stileid.u32  }
0x33: {  	s1 =	rddreg [dreg:$0x1];
	p0 =	sne.s32 s2, $0x0  }
0x34: {  	s3 =	rddreg [dreg:$0x2];
	[bflag:$0x3] =	sbarrier.arrive $0xFFFF;
	s2 =	simm.s32 @!p0 $0x1C01  }
0x35: {  	[timem:s3], [sflag:s2] =	dma.local @!p0 [hbm:s0], s1  }
0x36: {  	s0 =	simm.s32 @!p0 $0x1  }
0x37: {  	_ =	swait.ge @!p0 [sflag:s0], s1  }
0x38: {  	s1 =	ssub.s32 @!p0 $0x0, s1;
	[sflag:s0] =	ssyncset.done @!p0 $0x0  }
0x39: {  	[sflag:s0] =	ssyncadd.s32 @!p0 s1  }
0x3a: {  	[bflag:$0x3] =	sbarrier.arrive $0xFFFF  }
0x3b: {  	_ =	shalt  }

</sc_bundles>
